<compile_context>
chip_gen: v7x
topology: tpu7x:2x2x1
jax: 0.10.2.dev20260603
libtpu: 0.0.44.dev20260713+nightly
codegen_flags: <defaults>
</compile_context>

<pallas_src>
import functools

import jax
import jax.numpy as jnp
from jax import lax
from jax.experimental import pallas as pl
from jax.experimental.pallas import tpu as pltpu
from jax.experimental.pallas import tpu_sc as plsc

N_NODES = 10000
N_EDGES = 320000
N_FEAT = 128
N_META_IN = 16
N_OUT = 9

NC = 2
NS = 16
LANES = 16
NP = 10240
SLICE = NP // NS
EC = N_EDGES // NS
EG = EC // LANES
RED_G = SLICE // LANES


def _proj_body(x1_ref, x2_ref, w1_ref, w2_ref, w3_ref, w4_ref, v1_ref, v2_ref):
    wc = lax.dot_general(w3_ref[...], w4_ref[...], (((1,), (0,)), ((), ())),
                         precision=lax.Precision.HIGHEST)
    wc = lax.dot_general(w2_ref[...], wc, (((1,), (0,)), ((), ())),
                         precision=lax.Precision.HIGHEST)
    wc = lax.dot_general(w1_ref[...], wc, (((1,), (0,)), ((), ())),
                         precision=lax.Precision.HIGHEST)
    v1_ref[...] = lax.dot_general(x1_ref[...], wc, (((1,), (0,)), ((), ())),
                                  precision=lax.Precision.HIGHEST)
    v2_ref[...] = lax.dot_general(x2_ref[...], wc, (((1,), (0,)), ((), ())),
                                  precision=lax.Precision.HIGHEST)


def _project(x1, x2, W1, W2, W3, W4):
    return pl.pallas_call(
        _proj_body,
        out_shape=(jax.ShapeDtypeStruct((N_NODES, 1), jnp.float32),
                   jax.ShapeDtypeStruct((N_NODES, 1), jnp.float32)),
    )(x1, x2, W1, W2, W3, W4)


def _fast_rsqrt(x):
    i = plsc.bitcast(x, jnp.int32)
    i = jnp.int32(0x5F3759DF) - lax.shift_right_logical(i, 1)
    y = plsc.bitcast(i, jnp.float32)
    for _ in range(3):
        y = y * (1.5 - 0.5 * x * y * y)
    return y


def _gcn_sc_body(v_hbm, src_hbm, dst_hbm, cvec_hbm, z_hbm,
                 src_v, dst_v, norm_v, v_loc, dinv_loc, acc, tmp, sbuf, cbuf,
                 sh_mat, sh_vec):
    cid = lax.axis_index("c")
    sid = lax.axis_index("s")
    ebase = cid * N_EDGES + sid * EC
    zeros16 = jnp.zeros((LANES,), jnp.float32)
    ones16 = jnp.ones((LANES,), jnp.float32)

    pltpu.sync_copy(src_hbm.at[pl.ds(ebase, EC)], src_v)
    pltpu.sync_copy(dst_hbm.at[pl.ds(ebase, EC)], dst_v)
    pltpu.sync_copy(v_hbm.at[pl.ds(cid * N_NODES, N_NODES)],
                    v_loc.at[pl.ds(0, N_NODES)])
    pltpu.sync_copy(cvec_hbm, cbuf)
    for j in range(N_NODES // LANES, NP // LANES):
        v_loc[pl.ds(j * LANES, LANES)] = zeros16

    def _zero_acc():
        def body(i, _):
            acc[pl.ds(i * LANES, LANES)] = zeros16
            return 0
        lax.fori_loop(0, NP // LANES, body, 0)

    def _reduce_tiles():
        pltpu.sync_copy(acc, sh_mat.at[sid])
        plsc.subcore_barrier()
        pltpu.sync_copy(sh_mat.at[:, pl.ds(sid * SLICE, SLICE)], tmp)

    def _publish_and_fetch(dst_loc):
        pltpu.sync_copy(sbuf, sh_vec.at[pl.ds(sid * SLICE, SLICE)])
        plsc.subcore_barrier()
        pltpu.sync_copy(sh_vec, dst_loc)

    _zero_acc()

    def deg_body(i, _):
        d16 = dst_v[pl.ds(i * LANES, LANES)]
        plsc.addupdate_scatter(acc, [d16], ones16)
        return 0
    lax.fori_loop(0, EG, deg_body, 0)
    _reduce_tiles()

    def deg_red(g, _):
        off = g * LANES
        s = tmp[0, pl.ds(off, LANES)]
        for r in range(1, NS):
            s = s + tmp[r, pl.ds(off, LANES)]
        sbuf[pl.ds(off, LANES)] = _fast_rsqrt(s + 1.0)
        return 0
    lax.fori_loop(0, RED_G, deg_red, 0)
    _publish_and_fetch(dinv_loc)

    def norm_body(i, _):
        off = i * LANES
        s16 = src_v[pl.ds(off, LANES)]
        d16 = dst_v[pl.ds(off, LANES)]
        norm_v[pl.ds(off, LANES)] = (plsc.load_gather(dinv_loc, [s16]) *
                                     plsc.load_gather(dinv_loc, [d16]))
        return 0
    lax.fori_loop(0, EG, norm_body, 0)

    for layer in range(4):
        _zero_acc()

        def edge_body(i, _):
            off = i * LANES
            s16 = src_v[pl.ds(off, LANES)]
            vv = plsc.load_gather(v_loc, [s16])
            nv = norm_v[pl.ds(off, LANES)]
            d16 = dst_v[pl.ds(off, LANES)]
            plsc.addupdate_scatter(acc, [d16], vv * nv)
            return 0
        lax.fori_loop(0, EG, edge_body, 0)
        _reduce_tiles()
        cv = cbuf[pl.ds(layer * LANES, LANES)]

        def app_red(g, _):
            off = g * LANES
            s = tmp[0, pl.ds(off, LANES)]
            for r in range(1, NS):
                s = s + tmp[r, pl.ds(off, LANES)]
            goff = sid * SLICE + off
            dv = dinv_loc[pl.ds(goff, LANES)]
            vv = v_loc[pl.ds(goff, LANES)]
            sbuf[pl.ds(off, LANES)] = s + dv * dv * vv + cv
            return 0
        lax.fori_loop(0, RED_G, app_red, 0)
        if layer < 3:
            _publish_and_fetch(v_loc)
        else:
            pltpu.sync_copy(sbuf, sh_vec.at[pl.ds(sid * SLICE, SLICE)])
            plsc.subcore_barrier()

    @pl.when(sid == 0)
    def _():
        pltpu.sync_copy(sh_vec.at[pl.ds(0, N_NODES)],
                        acc.at[pl.ds(0, N_NODES)])
        pltpu.sync_copy(acc.at[pl.ds(0, N_NODES)],
                        z_hbm.at[pl.ds(cid * N_NODES, N_NODES)])


@functools.lru_cache(maxsize=1)
def _gcn_sc():
  return pl.kernel(
    _gcn_sc_body,
    out_type=jax.ShapeDtypeStruct((NC * N_NODES,), jnp.float32),
    mesh=plsc.VectorSubcoreMesh(core_axis_name="c", subcore_axis_name="s",
                                num_cores=NC, num_subcores=NS),
    compiler_params=pltpu.CompilerParams(needs_layout_passes=False),
    scratch_types=[
        pltpu.VMEM((EC,), jnp.int32),
        pltpu.VMEM((EC,), jnp.int32),
        pltpu.VMEM((EC,), jnp.float32),
        pltpu.VMEM((NP,), jnp.float32),
        pltpu.VMEM((NP,), jnp.float32),
        pltpu.VMEM((NP,), jnp.float32),
        pltpu.VMEM((NS, SLICE), jnp.float32),
        pltpu.VMEM((SLICE,), jnp.float32),
        pltpu.VMEM((4 * LANES,), jnp.float32),
        pltpu.VMEM_SHARED((NS, NP), jnp.float32),
        pltpu.VMEM_SHARED((NP,), jnp.float32),
    ],
  )


RB = 400
NRB = (2 * N_NODES) // RB


RJ = 200


def _ri_body(wit_ref, z_ref, ri_ref):
    ri_ref[...] = lax.dot_general(wit_ref[...], z_ref[...],
                                  (((1,), (0,)), ((), ())),
                                  precision=lax.Precision.DEFAULT)


def _ri(WiT, z_col):
    return pl.pallas_call(
        _ri_body,
        grid=(N_NODES // RJ,),
        in_specs=[
            pl.BlockSpec((RJ, 2 * N_NODES), lambda i: (i, 0)),
            pl.BlockSpec((2 * N_NODES, 1), lambda i: (0, 0)),
        ],
        out_specs=pl.BlockSpec((RJ, 1), lambda i: (i, 0)),
        out_shape=jax.ShapeDtypeStruct((N_NODES, 1), jnp.float32),
        compiler_params=pltpu.CompilerParams(
            dimension_semantics=("arbitrary",)),
    )(WiT, z_col)


def _tail_body(ri_ref, bi_ref, wfm_ref, meta_ref, wfmeta_ref, bf_ref,
               out_ref):
    row = ri_ref[...] + bi_ref[...]
    r9 = lax.dot_general(row, wfm_ref[...], (((1,), (0,)), ((), ())),
                         precision=lax.Precision.HIGHEST)
    r9 = r9 + lax.dot_general(meta_ref[...], wfmeta_ref[...],
                              (((1,), (0,)), ((), ())),
                              precision=lax.Precision.HIGHEST)
    out_ref[...] = r9 + bf_ref[...]


def _tail(ri_row, bi, Wf_main, meta, Wf_meta, bf):
    return pl.pallas_call(
        _tail_body,
        out_shape=jax.ShapeDtypeStruct((1, N_OUT), jnp.float32),
    )(ri_row, bi, Wf_main, meta, Wf_meta, bf)


def kernel(x1, edge_index1, x2, edge_index2, meta, W1, b1, W2, b2, W3, b3,
           W4, b4, Wi, bi, Wf, bf):
    c1 = (b1 @ W2 @ W3 @ W4)[0]
    c2 = (b2 @ W3 @ W4)[0]
    c3 = (b3 @ W4)[0]
    c4 = b4[0]
    cvec = jnp.concatenate([jnp.full((LANES,), c, jnp.float32)
                            for c in (c1, c2, c3, c4)])

    v1, v2 = _project(x1, x2, W1, W2, W3, W4)
    vflat = jnp.concatenate([v1[:, 0], v2[:, 0]])
    src2 = jnp.concatenate([edge_index1[0], edge_index2[0]])
    dst2 = jnp.concatenate([edge_index1[1], edge_index2[1]])

    z2d = _gcn_sc()(vflat, src2, dst2, cvec)

    ri = _ri(Wi.T, z2d.reshape(2 * N_NODES, 1))
    out = _tail(ri.reshape(1, N_NODES), bi.reshape(1, N_NODES),
                Wf[:N_NODES], meta.reshape(1, N_META_IN), Wf[N_NODES:],
                bf.reshape(1, N_OUT))
    return out[0]

# --- scband reference (transcript-rebuilt; emitter-appended) ---
"""Pipeline reference for scband-discriminator-68813966016698 (READ-ONLY COPY).

The authoritative reference and input builder live on the scoring server;
editing this copy changes nothing except your own understanding.
"""

import jax, jax.numpy as jnp
import numpy as np

N = 10000
E = 320000
F = 128
META = 16
LAM = 8


def gcn_conv(x, ei, W, b):
    # GCNConv: x' = D^{-1/2} (A + I) D^{-1/2} X W + b  (add_self_loops=True default)
    n = x.shape[0]
    sl = jnp.arange(n, dtype=ei.dtype)
    src = jnp.concatenate([ei[0], sl])
    dst = jnp.concatenate([ei[1], sl])
    deg = jax.ops.segment_sum(jnp.ones(src.shape[0], x.dtype), dst, num_segments=n)
    dinv = jnp.where(deg > 0, jax.lax.rsqrt(jnp.maximum(deg, 1e-12)), 0.0)
    norm = dinv[src] * dinv[dst]
    h = x @ W
    out = jax.ops.segment_sum(h[src] * norm[:, None], dst, num_segments=n)
    return out + b


def setup_inputs(seed: int = 0):
    key = jax.random.key(seed)
    ks = jax.random.split(key, 20)
    inp = {}
    inp["x1"] = jax.random.normal(ks[0], (N, F), jnp.float32)
    inp["edge_index1"] = jax.random.randint(ks[1], (2, E), 0, N, dtype=jnp.int32)
    inp["x2"] = jax.random.normal(ks[2], (N, F), jnp.float32)
    inp["edge_index2"] = jax.random.randint(ks[3], (2, E), 0, N, dtype=jnp.int32)
    inp["meta"] = jax.random.normal(ks[4], (META,), jnp.float32)
    # GCN weights (PyG GCNConv: weight [in,out], bias [out])
    inp["W1"] = jax.random.normal(ks[5], (F, 8), jnp.float32) * (1.0 / np.sqrt(F))
    inp["b1"] = jnp.zeros((8,), jnp.float32)
    inp["W2"] = jax.random.normal(ks[6], (8, 4), jnp.float32) * (1.0 / np.sqrt(8))
    inp["b2"] = jnp.zeros((4,), jnp.float32)
    inp["W3"] = jax.random.normal(ks[7], (4, 2), jnp.float32) * (1.0 / np.sqrt(4))
    inp["b3"] = jnp.zeros((2,), jnp.float32)
    inp["W4"] = jax.random.normal(ks[8], (2, 1), jnp.float32) * (1.0 / np.sqrt(2))
    inp["b4"] = jnp.zeros((1,), jnp.float32)
    # fc_inter: Linear(2N -> N); stored as [2N, N] for x @ W
    inp["Wi"] = jax.random.normal(ks[9], (2 * N, N), jnp.float32) * (1.0 / np.sqrt(2 * N))
    inp["bi"] = jnp.zeros((N,), jnp.float32)
    # fc: Linear(N + META -> LAM + 1)
    inp["Wf"] = jax.random.normal(ks[10], (N + META, LAM + 1), jnp.float32) * (1.0 / np.sqrt(N + META))
    inp["bf"] = jnp.zeros((LAM + 1,), jnp.float32)
    return inp


def reference(x1, edge_index1, x2, edge_index2, meta, W1, b1, W2, b2, W3, b3, W4, b4, Wi, bi, Wf, bf):
    def branch(x, ei):
        h = gcn_conv(x, ei, W1, b1)
        h = gcn_conv(h, ei, W2, b2)
        h = gcn_conv(h, ei, W3, b3)
        h = gcn_conv(h, ei, W4, b4)
        return h[:, 0]  # squeeze [N,1] -> [N]

    z1 = branch(x1, edge_index1)
    z2 = branch(x2, edge_index2)
    concat_inter = jnp.concatenate([z1, z2])            # [2N]
    result_inter = concat_inter @ Wi + bi               # [N]
    concat = jnp.concatenate([result_inter, meta])      # [N+META]
    result = concat @ Wf + bf                           # [LAM+1]
    return result

if __name__ == "__main__":
    import jax
    _d = setup_inputs()
    print(jax.jit(kernel)(*tuple(_d.values())))

</pallas_src>

<mosaic_0001>
#map = affine_map<(d0, d1) -> (0)>
module attributes {stable_mosaic.version = 14 : i64} {
  func.func @_gcn_sc_body(%arg0: i32, %arg1: i32, %arg2: memref<20000xf32, #tpu.memory_space<hbm>>, %arg3: memref<640000xi32, #tpu.memory_space<hbm>>, %arg4: memref<640000xi32, #tpu.memory_space<hbm>>, %arg5: memref<64xf32, #tpu.memory_space<hbm>>, %arg6: memref<20000xf32, #tpu.memory_space<hbm>>, %arg7: memref<20000xi32, #tpu.memory_space<vmem>>, %arg8: memref<20000xi32, #tpu.memory_space<vmem>>, %arg9: memref<20000xf32, #tpu.memory_space<vmem>>, %arg10: memref<10240xf32, #tpu.memory_space<vmem>>, %arg11: memref<10240xf32, #tpu.memory_space<vmem>>, %arg12: memref<10240xf32, #tpu.memory_space<vmem>>, %arg13: memref<16x640xf32, #tpu.memory_space<vmem>>, %arg14: memref<640xf32, #tpu.memory_space<vmem>>, %arg15: memref<64xf32, #tpu.memory_space<vmem>>, %arg16: memref<16x10240xf32, #tpu.memory_space<vmem_shared>>, %arg17: memref<10240xf32, #tpu.memory_space<vmem_shared>>) attributes {dimension_semantics = [#tpu.dimension_semantics<core_parallel>, #tpu.dimension_semantics<subcore_parallel>], iteration_bounds = array<i64: 2, 16>, scalar_prefetch = 0 : i64, scratch_operands = 11 : i64, tpu.core_type = #tpu.core_type<sc_vector_subcore>, window_params = [{transform_indices = #map}, {transform_indices = #map}, {transform_indices = #map}, {transform_indices = #map}, {transform_indices = #map}]} {
    %mul3A = arith.constant 320000 : i32
    %mul3A_0 = arith.muli %arg0, %mul3A : i32
    %mul3A_1 = arith.constant 20000 : i32
    %mul3A_2 = arith.muli %arg1, %mul3A_1 : i32
    %add3A = arith.addi %mul3A_0, %mul3A_2 : i32
    %broadcast_in_dim3A = arith.constant 0.000000e+00 : f32
    %broadcast_in_dim3A_3 = vector.broadcast %broadcast_in_dim3A : f32 to vector<16xf32>
    %broadcast_in_dim3A_4 = arith.constant 1.000000e+00 : f32
    %broadcast_in_dim3A_5 = vector.broadcast %broadcast_in_dim3A_4 : f32 to vector<16xf32>
    "tpu.region"() ({
      %run_scoped3A = tpu.sem_alloc : memref<!tpu.dma_semaphore, #tpu.memory_space<semaphore_mem>>
      %dma_start3A = tpu.memref_slice %arg3[%add3A] : memref<640000xi32, #tpu.memory_space<hbm>> -> memref<20000xi32, #tpu.memory_space<hbm>>
      %dma_start3A_186 = tpu.memref_slice %arg3[%add3A] : memref<640000xi32, #tpu.memory_space<hbm>> -> memref<20000xi32, #tpu.memory_space<hbm>>
      tpu.enqueue_dma source(%dma_start3A_186 : memref<20000xi32, #tpu.memory_space<hbm>>) target(%arg7 : memref<20000xi32, #tpu.memory_space<vmem>>) target_semaphore(%run_scoped3A : memref<!tpu.dma_semaphore, #tpu.memory_space<semaphore_mem>>)
      %dma_wait3A = tpu.memref_slice %arg3[%add3A] : memref<640000xi32, #tpu.memory_space<hbm>> -> memref<20000xi32, #tpu.memory_space<hbm>>
      %dma_wait3A_187 = tpu.memref_slice %arg3[%add3A] : memref<640000xi32, #tpu.memory_space<hbm>> -> memref<20000xi32, #tpu.memory_space<hbm>>
      tpu.wait_dma2 semaphore(%run_scoped3A : memref<!tpu.dma_semaphore, #tpu.memory_space<semaphore_mem>>) src(%dma_wait3A_187 : memref<20000xi32, #tpu.memory_space<hbm>>) dst(%arg7 : memref<20000xi32, #tpu.memory_space<vmem>>)
      tpu.yield
    }) : () -> ()
    "tpu.region"() ({
      %run_scoped3A = tpu.sem_alloc : memref<!tpu.dma_semaphore, #tpu.memory_space<semaphore_mem>>
      %dma_start3A = tpu.memref_slice %arg4[%add3A] : memref<640000xi32, #tpu.memory_space<hbm>> -> memref<20000xi32, #tpu.memory_space<hbm>>
      %dma_start3A_186 = tpu.memref_slice %arg4[%add3A] : memref<640000xi32, #tpu.memory_space<hbm>> -> memref<20000xi32, #tpu.memory_space<hbm>>
      tpu.enqueue_dma source(%dma_start3A_186 : memref<20000xi32, #tpu.memory_space<hbm>>) target(%arg8 : memref<20000xi32, #tpu.memory_space<vmem>>) target_semaphore(%run_scoped3A : memref<!tpu.dma_semaphore, #tpu.memory_space<semaphore_mem>>)
      %dma_wait3A = tpu.memref_slice %arg4[%add3A] : memref<640000xi32, #tpu.memory_space<hbm>> -> memref<20000xi32, #tpu.memory_space<hbm>>
      %dma_wait3A_187 = tpu.memref_slice %arg4[%add3A] : memref<640000xi32, #tpu.memory_space<hbm>> -> memref<20000xi32, #tpu.memory_space<hbm>>
      tpu.wait_dma2 semaphore(%run_scoped3A : memref<!tpu.dma_semaphore, #tpu.memory_space<semaphore_mem>>) src(%dma_wait3A_187 : memref<20000xi32, #tpu.memory_space<hbm>>) dst(%arg8 : memref<20000xi32, #tpu.memory_space<vmem>>)
      tpu.yield
    }) : () -> ()
    %mul3A_6 = arith.constant 10000 : i32
    %mul3A_7 = arith.muli %arg0, %mul3A_6 : i32
    "tpu.region"() ({
      %run_scoped3A = tpu.sem_alloc : memref<!tpu.dma_semaphore, #tpu.memory_space<semaphore_mem>>
      %dma_start3A = arith.constant 0 : i32
      %dma_start3A_186 = tpu.memref_slice %arg10[%dma_start3A] : memref<10240xf32, #tpu.memory_space<vmem>> -> memref<10000xf32, #tpu.memory_space<vmem>>
      %dma_start3A_187 = tpu.memref_slice %arg2[%mul3A_7] : memref<20000xf32, #tpu.memory_space<hbm>> -> memref<10000xf32, #tpu.memory_space<hbm>>
      %dma_start3A_188 = arith.constant 0 : i32
      %dma_start3A_189 = tpu.memref_slice %arg10[%dma_start3A_188] : memref<10240xf32, #tpu.memory_space<vmem>> -> memref<10000xf32, #tpu.memory_space<vmem>>
      %dma_start3A_190 = tpu.memref_slice %arg2[%mul3A_7] : memref<20000xf32, #tpu.memory_space<hbm>> -> memref<10000xf32, #tpu.memory_space<hbm>>
      tpu.enqueue_dma source(%dma_start3A_190 : memref<10000xf32, #tpu.memory_space<hbm>>) target(%dma_start3A_189 : memref<10000xf32, #tpu.memory_space<vmem>>) target_semaphore(%run_scoped3A : memref<!tpu.dma_semaphore, #tpu.memory_space<semaphore_mem>>)
      %dma_wait3A = arith.constant 0 : i32
      %dma_wait3A_191 = tpu.memref_slice %arg10[%dma_wait3A] : memref<10240xf32, #tpu.memory_space<vmem>> -> memref<10000xf32, #tpu.memory_space<vmem>>
      %dma_wait3A_192 = tpu.memref_slice %arg2[%mul3A_7] : memref<20000xf32, #tpu.memory_space<hbm>> -> memref<10000xf32, #tpu.memory_space<hbm>>
      %dma_wait3A_193 = arith.constant 0 : i32
      %dma_wait3A_194 = tpu.memref_slice %arg10[%dma_wait3A_193] : memref<10240xf32, #tpu.memory_space<vmem>> -> memref<10000xf32, #tpu.memory_space<vmem>>
      %dma_wait3A_195 = tpu.memref_slice %arg2[%mul3A_7] : memref<20000xf32, #tpu.memory_space<hbm>> -> memref<10000xf32, #tpu.memory_space<hbm>>
      tpu.wait_dma2 semaphore(%run_scoped3A : memref<!tpu.dma_semaphore, #tpu.memory_space<semaphore_mem>>) src(%dma_wait3A_195 : memref<10000xf32, #tpu.memory_space<hbm>>) dst(%dma_wait3A_194 : memref<10000xf32, #tpu.memory_space<vmem>>)
      tpu.yield
    }) : () -> ()
    "tpu.region"() ({
      %run_scoped3A = tpu.sem_alloc : memref<!tpu.dma_semaphore, #tpu.memory_space<semaphore_mem>>
      tpu.enqueue_dma source(%arg5 : memref<64xf32, #tpu.memory_space<hbm>>) target(%arg15 : memref<64xf32, #tpu.memory_space<vmem>>) target_semaphore(%run_scoped3A : memref<!tpu.dma_semaphore, #tpu.memory_space<semaphore_mem>>)
      tpu.wait_dma2 semaphore(%run_scoped3A : memref<!tpu.dma_semaphore, #tpu.memory_space<semaphore_mem>>) src(%arg5 : memref<64xf32, #tpu.memory_space<hbm>>) dst(%arg15 : memref<64xf32, #tpu.memory_space<vmem>>)
      tpu.yield
    }) : () -> ()
    %swap3A = arith.constant 10000 : index
    %swap3A_8 = tpu.vector_load %arg10[%swap3A] {strides = array<i32>} : memref<10240xf32, #tpu.memory_space<vmem>>, vector<16xf32>,
    tpu.vector_store %arg10[%swap3A], %broadcast_in_dim3A_3 {strides = array<i32>} : memref<10240xf32, #tpu.memory_space<vmem>>, vector<16xf32>,
    %swap3A_9 = arith.constant 10016 : index
    %swap3A_10 = tpu.vector_load %arg10[%swap3A_9] {strides = array<i32>} : memref<10240xf32, #tpu.memory_space<vmem>>, vector<16xf32>,
    tpu.vector_store %arg10[%swap3A_9], %broadcast_in_dim3A_3 {strides = array<i32>} : memref<10240xf32, #tpu.memory_space<vmem>>, vector<16xf32>,
    %swap3A_11 = arith.constant 10032 : index
    %swap3A_12 = tpu.vector_load %arg10[%swap3A_11] {strides = array<i32>} : memref<10240xf32, #tpu.memory_space<vmem>>, vector<16xf32>,
    tpu.vector_store %arg10[%swap3A_11], %broadcast_in_dim3A_3 {strides = array<i32>} : memref<10240xf32, #tpu.memory_space<vmem>>, vector<16xf32>,
    %swap3A_13 = arith.constant 10048 : index
    %swap3A_14 = tpu.vector_load %arg10[%swap3A_13] {strides = array<i32>} : memref<10240xf32, #tpu.memory_space<vmem>>, vector<16xf32>,
    tpu.vector_store %arg10[%swap3A_13], %broadcast_in_dim3A_3 {strides = array<i32>} : memref<10240xf32, #tpu.memory_space<vmem>>, vector<16xf32>,
    %swap3A_15 = arith.constant 10064 : index
    %swap3A_16 = tpu.vector_load %arg10[%swap3A_15] {strides = array<i32>} : memref<10240xf32, #tpu.memory_space<vmem>>, vector<16xf32>,
    tpu.vector_store %arg10[%swap3A_15], %broadcast_in_dim3A_3 {strides = array<i32>} : memref<10240xf32, #tpu.memory_space<vmem>>, vector<16xf32>,
    %swap3A_17 = arith.constant 10080 : index
    %swap3A_18 = tpu.vector_load %arg10[%swap3A_17] {strides = array<i32>} : memref<10240xf32, #tpu.memory_space<vmem>>, vector<16xf32>,
    tpu.vector_store %arg10[%swap3A_17], %broadcast_in_dim3A_3 {strides = array<i32>} : memref<10240xf32, #tpu.memory_space<vmem>>, vector<16xf32>,
    %swap3A_19 = arith.constant 10096 : index
    %swap3A_20 = tpu.vector_load %arg10[%swap3A_19] {strides = array<i32>} : memref<10240xf32, #tpu.memory_space<vmem>>, vector<16xf32>,
    tpu.vector_store %arg10[%swap3A_19], %broadcast_in_dim3A_3 {strides = array<i32>} : memref<10240xf32, #tpu.memory_space<vmem>>, vector<16xf32>,
    %swap3A_21 = arith.constant 10112 : index
    %swap3A_22 = tpu.vector_load %arg10[%swap3A_21] {strides = array<i32>} : memref<10240xf32, #tpu.memory_space<vmem>>, vector<16xf32>,
    tpu.vector_store %arg10[%swap3A_21], %broadcast_in_dim3A_3 {strides = array<i32>} : memref<10240xf32, #tpu.memory_space<vmem>>, vector<16xf32>,
    %swap3A_23 = arith.constant 10128 : index
    %swap3A_24 = tpu.vector_load %arg10[%swap3A_23] {strides = array<i32>} : memref<10240xf32, #tpu.memory_space<vmem>>, vector<16xf32>,
    tpu.vector_store %arg10[%swap3A_23], %broadcast_in_dim3A_3 {strides = array<i32>} : memref<10240xf32, #tpu.memory_space<vmem>>, vector<16xf32>,
    %swap3A_25 = arith.constant 10144 : index
    %swap3A_26 = tpu.vector_load %arg10[%swap3A_25] {strides = array<i32>} : memref<10240xf32, #tpu.memory_space<vmem>>, vector<16xf32>,
    tpu.vector_store %arg10[%swap3A_25], %broadcast_in_dim3A_3 {strides = array<i32>} : memref<10240xf32, #tpu.memory_space<vmem>>, vector<16xf32>,
    %swap3A_27 = arith.constant 10160 : index
    %swap3A_28 = tpu.vector_load %arg10[%swap3A_27] {strides = array<i32>} : memref<10240xf32, #tpu.memory_space<vmem>>, vector<16xf32>,
    tpu.vector_store %arg10[%swap3A_27], %broadcast_in_dim3A_3 {strides = array<i32>} : memref<10240xf32, #tpu.memory_space<vmem>>, vector<16xf32>,
    %swap3A_29 = arith.constant 10176 : index
    %swap3A_30 = tpu.vector_load %arg10[%swap3A_29] {strides = array<i32>} : memref<10240xf32, #tpu.memory_space<vmem>>, vector<16xf32>,
    tpu.vector_store %arg10[%swap3A_29], %broadcast_in_dim3A_3 {strides = array<i32>} : memref<10240xf32, #tpu.memory_space<vmem>>, vector<16xf32>,
    %swap3A_31 = arith.constant 10192 : index
    %swap3A_32 = tpu.vector_load %arg10[%swap3A_31] {strides = array<i32>} : memref<10240xf32, #tpu.memory_space<vmem>>, vector<16xf32>,
    tpu.vector_store %arg10[%swap3A_31], %broadcast_in_dim3A_3 {strides = array<i32>} : memref<10240xf32, #tpu.memory_space<vmem>>, vector<16xf32>,
    %swap3A_33 = arith.constant 10208 : index
    %swap3A_34 = tpu.vector_load %arg10[%swap3A_33] {strides = array<i32>} : memref<10240xf32, #tpu.memory_space<vmem>>, vector<16xf32>,
    tpu.vector_store %arg10[%swap3A_33], %broadcast_in_dim3A_3 {strides = array<i32>} : memref<10240xf32, #tpu.memory_space<vmem>>, vector<16xf32>,
    %swap3A_35 = arith.constant 10224 : index
    %swap3A_36 = tpu.vector_load %arg10[%swap3A_35] {strides = array<i32>} : memref<10240xf32, #tpu.memory_space<vmem>>, vector<16xf32>,
    tpu.vector_store %arg10[%swap3A_35], %broadcast_in_dim3A_3 {strides = array<i32>} : memref<10240xf32, #tpu.memory_space<vmem>>, vector<16xf32>,
    %scan3A = arith.constant 0 : i32
    %scan3A_37 = arith.constant 0 : i32
    %scan3A_38 = arith.constant 640 : i32
    %scan3A_39 = arith.addi %scan3A_37, %scan3A_38 : i32
    %scan3A_40 = arith.constant 1 : i32
    %scan3A_41 = scf.for %scan3A_186 = %scan3A_37 to %scan3A_39 step %scan3A_40 iter_args(%scan3A_187 = %scan3A) -> (i32)  : i32 {
      %mul3A_188 = arith.constant 16 : i32
      %mul3A_189 = arith.muli %scan3A_186, %mul3A_188 : i32
      %swap3A_190 = arith.index_cast %mul3A_189 : i32 to index
      %swap3A_191 = tpu.vector_load %arg12[%swap3A_190] {strides = array<i32>} : memref<10240xf32, #tpu.memory_space<vmem>>, vector<16xf32>,
      tpu.vector_store %arg12[%swap3A_190], %broadcast_in_dim3A_3 {strides = array<i32>} : memref<10240xf32, #tpu.memory_space<vmem>>, vector<16xf32>,
      %scan3A_192 = arith.constant 0 : i32
      scf.yield %scan3A_192 : i32
    }
    %scan3A_42 = arith.constant 640 : i32
    %scan3A_43 = arith.constant 0 : i32
    %scan3A_44 = arith.constant 0 : i32
    %scan3A_45 = arith.constant 1250 : i32
    %scan3A_46 = arith.addi %scan3A_44, %scan3A_45 : i32
    %scan3A_47 = arith.constant 1 : i32
    %scan3A_48 = scf.for %scan3A_186 = %scan3A_44 to %scan3A_46 step %scan3A_47 iter_args(%scan3A_187 = %scan3A_43) -> (i32)  : i32 {
      %mul3A_188 = arith.constant 16 : i32
      %mul3A_189 = arith.muli %scan3A_186, %mul3A_188 : i32
      %get3A_190 = arith.index_cast %mul3A_189 : i32 to index
      %get3A_191 = tpu.vector_load %arg8[%get3A_190] {strides = array<i32>} : memref<20000xi32, #tpu.memory_space<vmem>>, vector<16xi32>,
      tpu.vector_store_idx %arg12[%get3A_191], %broadcast_in_dim3A_5 {add = true} : memref<10240xf32, #tpu.memory_space<vmem>>[vector<16xi32>], vector<16xf32>,
      %scan3A_192 = arith.constant 0 : i32
      scf.yield %scan3A_192 : i32
    }
    %scan3A_49 = arith.constant 1250 : i32
    "tpu.region"() ({
      %run_scoped3A = tpu.sem_alloc : memref<!tpu.dma_semaphore, #tpu.memory_space<semaphore_mem>>
      %dma_start3A = arith.constant 0 : i32
      %dma_start3A_186 = tpu.memref_slice %arg16[%arg1, %dma_start3A] : memref<16x10240xf32, #tpu.memory_space<vmem_shared>> -> memref<1x10240xf32, #tpu.memory_space<vmem_shared>>
      %dma_start3A_187 = tpu.memref_squeeze %dma_start3A_186 : memref<1x10240xf32, #tpu.memory_space<vmem_shared>> -> memref<10240xf32, #tpu.memory_space<vmem_shared>>
      %dma_start3A_188 = arith.constant 0 : i32
      %dma_start3A_189 = tpu.memref_slice %arg16[%arg1, %dma_start3A_188] : memref<16x10240xf32, #tpu.memory_space<vmem_shared>> -> memref<1x10240xf32, #tpu.memory_space<vmem_shared>>
      %dma_start3A_190 = tpu.memref_squeeze %dma_start3A_189 : memref<1x10240xf32, #tpu.memory_space<vmem_shared>> -> memref<10240xf32, #tpu.memory_space<vmem_shared>>
      tpu.enqueue_dma source(%arg12 : memref<10240xf32, #tpu.memory_space<vmem>>) target(%dma_start3A_190 : memref<10240xf32, #tpu.memory_space<vmem_shared>>) target_semaphore(%run_scoped3A : memref<!tpu.dma_semaphore, #tpu.memory_space<semaphore_mem>>)
      %dma_wait3A = arith.constant 0 : i32
      %dma_wait3A_191 = tpu.memref_slice %arg16[%arg1, %dma_wait3A] : memref<16x10240xf32, #tpu.memory_space<vmem_shared>> -> memref<1x10240xf32, #tpu.memory_space<vmem_shared>>
      %dma_wait3A_192 = tpu.memref_squeeze %dma_wait3A_191 : memref<1x10240xf32, #tpu.memory_space<vmem_shared>> -> memref<10240xf32, #tpu.memory_space<vmem_shared>>
      %dma_wait3A_193 = arith.constant 0 : i32
      %dma_wait3A_194 = tpu.memref_slice %arg16[%arg1, %dma_wait3A_193] : memref<16x10240xf32, #tpu.memory_space<vmem_shared>> -> memref<1x10240xf32, #tpu.memory_space<vmem_shared>>
      %dma_wait3A_195 = tpu.memref_squeeze %dma_wait3A_194 : memref<1x10240xf32, #tpu.memory_space<vmem_shared>> -> memref<10240xf32, #tpu.memory_space<vmem_shared>>
      tpu.wait_dma2 semaphore(%run_scoped3A : memref<!tpu.dma_semaphore, #tpu.memory_space<semaphore_mem>>) src(%arg12 : memref<10240xf32, #tpu.memory_space<vmem>>) dst(%dma_wait3A_195 : memref<10240xf32, #tpu.memory_space<vmem_shared>>)
      tpu.yield
    }) : () -> ()
    %barrier3A = arith.constant 0 : index
    tpu.barrier barrier_id(%barrier3A)
    %mul3A_50 = arith.constant 640 : i32
    %mul3A_51 = arith.muli %arg1, %mul3A_50 : i32
    "tpu.region"() ({
      %run_scoped3A = tpu.sem_alloc : memref<!tpu.dma_semaphore, #tpu.memory_space<semaphore_mem>>
      %dma_start3A = arith.constant 0 : i32
      %dma_start3A_186 = tpu.memref_slice %arg16[%dma_start3A, %mul3A_51] : memref<16x10240xf32, #tpu.memory_space<vmem_shared>> -> memref<16x640xf32, #tpu.memory_space<vmem_shared>>
      %dma_start3A_187 = arith.constant 0 : i32
      %dma_start3A_188 = tpu.memref_slice %arg16[%dma_start3A_187, %mul3A_51] : memref<16x10240xf32, #tpu.memory_space<vmem_shared>> -> memref<16x640xf32, #tpu.memory_space<vmem_shared>>
      tpu.enqueue_dma source(%dma_start3A_188 : memref<16x640xf32, #tpu.memory_space<vmem_shared>>) target(%arg13 : memref<16x640xf32, #tpu.memory_space<vmem>>) target_semaphore(%run_scoped3A : memref<!tpu.dma_semaphore, #tpu.memory_space<semaphore_mem>>)
      %dma_wait3A = arith.constant 0 : i32
      %dma_wait3A_189 = tpu.memref_slice %arg16[%dma_wait3A, %mul3A_51] : memref<16x10240xf32, #tpu.memory_space<vmem_shared>> -> memref<16x640xf32, #tpu.memory_space<vmem_shared>>
      %dma_wait3A_190 = arith.constant 0 : i32
      %dma_wait3A_191 = tpu.memref_slice %arg16[%dma_wait3A_190, %mul3A_51] : memref<16x10240xf32, #tpu.memory_space<vmem_shared>> -> memref<16x640xf32, #tpu.memory_space<vmem_shared>>
      tpu.wait_dma2 semaphore(%run_scoped3A : memref<!tpu.dma_semaphore, #tpu.memory_space<semaphore_mem>>) src(%dma_wait3A_191 : memref<16x640xf32, #tpu.memory_space<vmem_shared>>) dst(%arg13 : memref<16x640xf32, #tpu.memory_space<vmem>>)
      tpu.yield
    }) : () -> ()
    %scan3A_52 = arith.constant 0 : i32
    %scan3A_53 = arith.constant 0 : i32
    %scan3A_54 = arith.constant 40 : i32
    %scan3A_55 = arith.addi %scan3A_53, %scan3A_54 : i32
    %scan3A_56 = arith.constant 1 : i32
    %scan3A_57 = scf.for %scan3A_186 = %scan3A_53 to %scan3A_55 step %scan3A_56 iter_args(%scan3A_187 = %scan3A_52) -> (i32)  : i32 {
      %mul3A_188 = arith.constant 16 : i32
      %mul3A_189 = arith.muli %scan3A_186, %mul3A_188 : i32
      %get3A_190 = arith.constant 0 : i32
      %get3A_191 = arith.index_cast %get3A_190 : i32 to index
      %get3A_192 = arith.index_cast %mul3A_189 : i32 to index
      %get3A_193 = tpu.vector_load %arg13[%get3A_191, %get3A_192] {strides = array<i32>} : memref<16x640xf32, #tpu.memory_space<vmem>>, vector<16xf32>,
      %get3A_194 = arith.constant 1 : i32
      %get3A_195 = arith.index_cast %get3A_194 : i32 to index
      %get3A_196 = arith.index_cast %mul3A_189 : i32 to index
      %get3A_197 = tpu.vector_load %arg13[%get3A_195, %get3A_196] {strides = array<i32>} : memref<16x640xf32, #tpu.memory_space<vmem>>, vector<16xf32>,
      %add3A_198 = arith.addf %get3A_193, %get3A_197 : vector<16xf32>
      %get3A_199 = arith.constant 2 : i32
      %get3A_200 = arith.index_cast %get3A_199 : i32 to index
      %get3A_201 = arith.index_cast %mul3A_189 : i32 to index
      %get3A_202 = tpu.vector_load %arg13[%get3A_200, %get3A_201] {strides = array<i32>} : memref<16x640xf32, #tpu.memory_space<vmem>>, vector<16xf32>,
      %add3A_203 = arith.addf %add3A_198, %get3A_202 : vector<16xf32>
      %get3A_204 = arith.constant 3 : i32
      %get3A_205 = arith.index_cast %get3A_204 : i32 to index
      %get3A_206 = arith.index_cast %mul3A_189 : i32 to index
      %get3A_207 = tpu.vector_load %arg13[%get3A_205, %get3A_206] {strides = array<i32>} : memref<16x640xf32, #tpu.memory_space<vmem>>, vector<16xf32>,
      %add3A_208 = arith.addf %add3A_203, %get3A_207 : vector<16xf32>
      %get3A_209 = arith.constant 4 : i32
      %get3A_210 = arith.index_cast %get3A_209 : i32 to index
      %get3A_211 = arith.index_cast %mul3A_189 : i32 to index
      %get3A_212 = tpu.vector_load %arg13[%get3A_210, %get3A_211] {strides = array<i32>} : memref<16x640xf32, #tpu.memory_space<vmem>>, vector<16xf32>,
      %add3A_213 = arith.addf %add3A_208, %get3A_212 : vector<16xf32>
      %get3A_214 = arith.constant 5 : i32
      %get3A_215 = arith.index_cast %get3A_214 : i32 to index
      %get3A_216 = arith.index_cast %mul3A_189 : i32 to index
      %get3A_217 = tpu.vector_load %arg13[%get3A_215, %get3A_216] {strides = array<i32>} : memref<16x640xf32, #tpu.memory_space<vmem>>, vector<16xf32>,
      %add3A_218 = arith.addf %add3A_213, %get3A_217 : vector<16xf32>
      %get3A_219 = arith.constant 6 : i32
      %get3A_220 = arith.index_cast %get3A_219 : i32 to index
      %get3A_221 = arith.index_cast %mul3A_189 : i32 to index
      %get3A_222 = tpu.vector_load %arg13[%get3A_220, %get3A_221] {strides = array<i32>} : memref<16x640xf32, #tpu.memory_space<vmem>>, vector<16xf32>,
      %add3A_223 = arith.addf %add3A_218, %get3A_222 : vector<16xf32>
      %get3A_224 = arith.constant 7 : i32
      %get3A_225 = arith.index_cast %get3A_224 : i32 to index
      %get3A_226 = arith.index_cast %mul3A_189 : i32 to index
      %get3A_227 = tpu.vector_load %arg13[%get3A_225, %get3A_226] {strides = array<i32>} : memref<16x640xf32, #tpu.memory_space<vmem>>, vector<16xf32>,
      %add3A_228 = arith.addf %add3A_223, %get3A_227 : vector<16xf32>
      %get3A_229 = arith.constant 8 : i32
      %get3A_230 = arith.index_cast %get3A_229 : i32 to index
      %get3A_231 = arith.index_cast %mul3A_189 : i32 to index
      %get3A_232 = tpu.vector_load %arg13[%get3A_230, %get3A_231] {strides = array<i32>} : memref<16x640xf32, #tpu.memory_space<vmem>>, vector<16xf32>,
      %add3A_233 = arith.addf %add3A_228, %get3A_232 : vector<16xf32>
      %get3A_234 = arith.constant 9 : i32
      %get3A_235 = arith.index_cast %get3A_234 : i32 to index
      %get3A_236 = arith.index_cast %mul3A_189 : i32 to index
      %get3A_237 = tpu.vector_load %arg13[%get3A_235, %get3A_236] {strides = array<i32>} : memref<16x640xf32, #tpu.memory_space<vmem>>, vector<16xf32>,
      %add3A_238 = arith.addf %add3A_233, %get3A_237 : vector<16xf32>
      %get3A_239 = arith.constant 10 : i32
      %get3A_240 = arith.index_cast %get3A_239 : i32 to index
      %get3A_241 = arith.index_cast %mul3A_189 : i32 to index
      %get3A_242 = tpu.vector_load %arg13[%get3A_240, %get3A_241] {strides = array<i32>} : memref<16x640xf32, #tpu.memory_space<vmem>>, vector<16xf32>,
      %add3A_243 = arith.addf %add3A_238, %get3A_242 : vector<16xf32>
      %get3A_244 = arith.constant 11 : i32
      %get3A_245 = arith.index_cast %get3A_244 : i32 to index
      %get3A_246 = arith.index_cast %mul3A_189 : i32 to index
      %get3A_247 = tpu.vector_load %arg13[%get3A_245, %get3A_246] {strides = array<i32>} : memref<16x640xf32, #tpu.memory_space<vmem>>, vector<16xf32>,
      %add3A_248 = arith.addf %add3A_243, %get3A_247 : vector<16xf32>
      %get3A_249 = arith.constant 12 : i32
      %get3A_250 = arith.index_cast %get3A_249 : i32 to index
      %get3A_251 = arith.index_cast %mul3A_189 : i32 to index
      %get3A_252 = tpu.vector_load %arg13[%get3A_250, %get3A_251] {strides = array<i32>} : memref<16x640xf32, #tpu.memory_space<vmem>>, vector<16xf32>,
      %add3A_253 = arith.addf %add3A_248, %get3A_252 : vector<16xf32>
      %get3A_254 = arith.constant 13 : i32
      %get3A_255 = arith.index_cast %get3A_254 : i32 to index
      %get3A_256 = arith.index_cast %mul3A_189 : i32 to index
      %get3A_257 = tpu.vector_load %arg13[%get3A_255, %get3A_256] {strides = array<i32>} : memref<16x640xf32, #tpu.memory_space<vmem>>, vector<16xf32>,
      %add3A_258 = arith.addf %add3A_253, %get3A_257 : vector<16xf32>
      %get3A_259 = arith.constant 14 : i32
      %get3A_260 = arith.index_cast %get3A_259 : i32 to index
      %get3A_261 = arith.index_cast %mul3A_189 : i32 to index
      %get3A_262 = tpu.vector_load %arg13[%get3A_260, %get3A_261] {strides = array<i32>} : memref<16x640xf32, #tpu.memory_space<vmem>>, vector<16xf32>,
      %add3A_263 = arith.addf %add3A_258, %get3A_262 : vector<16xf32>
      %get3A_264 = arith.constant 15 : i32
      %get3A_265 = arith.index_cast %get3A_264 : i32 to index
      %get3A_266 = arith.index_cast %mul3A_189 : i32 to index
      %get3A_267 = tpu.vector_load %arg13[%get3A_265, %get3A_266] {strides = array<i32>} : memref<16x640xf32, #tpu.memory_space<vmem>>, vector<16xf32>,
      %add3A_268 = arith.addf %add3A_263, %get3A_267 : vector<16xf32>
      %add3A_269 = arith.constant 1.000000e+00 : f32
      %add3A_270 = vector.broadcast %add3A_269 : f32 to vector<16xf32>
      %add3A_271 = arith.addf %add3A_268, %add3A_270 : vector<16xf32>
      %bitcast3A = vector.bitcast %add3A_271 : vector<16xf32> to vector<16xi32>
      %shift_right_logical3A = arith.constant 1 : i32
      %shift_right_logical3A_272 = vector.broadcast %shift_right_logical3A : i32 to vector<16xi32>
      %shift_right_logical3A_273 = arith.shrui %bitcast3A, %shift_right_logical3A_272 : vector<16xi32>
      %sub3A = arith.constant 1597463007 : i32
      %sub3A_274 = vector.broadcast %sub3A : i32 to vector<16xi32>
      %sub3A_275 = arith.subi %sub3A_274, %shift_right_logical3A_273 : vector<16xi32>
      %bitcast3A_276 = vector.bitcast %sub3A_275 : vector<16xi32> to vector<16xf32>
      %mul3A_277 = arith.constant 5.000000e-01 : f32
      %mul3A_278 = vector.broadcast %mul3A_277 : f32 to vector<16xf32>
      %mul3A_279 = arith.mulf %mul3A_278, %add3A_271 : vector<16xf32>
      %mul3A_280 = arith.mulf %mul3A_279, %bitcast3A_276 : vector<16xf32>
      %mul3A_281 = arith.mulf %mul3A_280, %bitcast3A_276 : vector<16xf32>
      %sub3A_282 = arith.constant 1.500000e+00 : f32
      %sub3A_283 = vector.broadcast %sub3A_282 : f32 to vector<16xf32>
      %sub3A_284 = arith.subf %sub3A_283, %mul3A_281 : vector<16xf32>
      %mul3A_285 = arith.mulf %bitcast3A_276, %sub3A_284 : vector<16xf32>
      %mul3A_286 = arith.constant 5.000000e-01 : f32
      %mul3A_287 = vector.broadcast %mul3A_286 : f32 to vector<16xf32>
      %mul3A_288 = arith.mulf %mul3A_287, %add3A_271 : vector<16xf32>
      %mul3A_289 = arith.mulf %mul3A_288, %mul3A_285 : vector<16xf32>
      %mul3A_290 = arith.mulf %mul3A_289, %mul3A_285 : vector<16xf32>
      %sub3A_291 = arith.constant 1.500000e+00 : f32
      %sub3A_292 = vector.broadcast %sub3A_291 : f32 to vector<16xf32>
      %sub3A_293 = arith.subf %sub3A_292, %mul3A_290 : vector<16xf32>
      %mul3A_294 = arith.mulf %mul3A_285, %sub3A_293 : vector<16xf32>
      %mul3A_295 = arith.constant 5.000000e-01 : f32
      %mul3A_296 = vector.broadcast %mul3A_295 : f32 to vector<16xf32>
      %mul3A_297 = arith.mulf %mul3A_296, %add3A_271 : vector<16xf32>
      %mul3A_298 = arith.mulf %mul3A_297, %mul3A_294 : vector<16xf32>
      %mul3A_299 = arith.mulf %mul3A_298, %mul3A_294 : vector<16xf32>
      %sub3A_300 = arith.constant 1.500000e+00 : f32
      %sub3A_301 = vector.broadcast %sub3A_300 : f32 to vector<16xf32>
      %sub3A_302 = arith.subf %sub3A_301, %mul3A_299 : vector<16xf32>
      %mul3A_303 = arith.mulf %mul3A_294, %sub3A_302 : vector<16xf32>
      %swap3A_304 = arith.index_cast %mul3A_189 : i32 to index
      %swap3A_305 = tpu.vector_load %arg14[%swap3A_304] {strides = array<i32>} : memref<640xf32, #tpu.memory_space<vmem>>, vector<16xf32>,
      tpu.vector_store %arg14[%swap3A_304], %mul3A_303 {strides = array<i32>} : memref<640xf32, #tpu.memory_space<vmem>>, vector<16xf32>,
      %scan3A_306 = arith.constant 0 : i32
      scf.yield %scan3A_306 : i32
    }
    %scan3A_58 = arith.constant 40 : i32
    %mul3A_59 = arith.constant 640 : i32
    %mul3A_60 = arith.muli %arg1, %mul3A_59 : i32
    "tpu.region"() ({
      %run_scoped3A = tpu.sem_alloc : memref<!tpu.dma_semaphore, #tpu.memory_space<semaphore_mem>>
      %dma_start3A = tpu.memref_slice %arg17[%mul3A_60] : memref<10240xf32, #tpu.memory_space<vmem_shared>> -> memref<640xf32, #tpu.memory_space<vmem_shared>>
      %dma_start3A_186 = tpu.memref_slice %arg17[%mul3A_60] : memref<10240xf32, #tpu.memory_space<vmem_shared>> -> memref<640xf32, #tpu.memory_space<vmem_shared>>
      tpu.enqueue_dma source(%arg14 : memref<640xf32, #tpu.memory_space<vmem>>) target(%dma_start3A_186 : memref<640xf32, #tpu.memory_space<vmem_shared>>) target_semaphore(%run_scoped3A : memref<!tpu.dma_semaphore, #tpu.memory_space<semaphore_mem>>)
      %dma_wait3A = tpu.memref_slice %arg17[%mul3A_60] : memref<10240xf32, #tpu.memory_space<vmem_shared>> -> memref<640xf32, #tpu.memory_space<vmem_shared>>
      %dma_wait3A_187 = tpu.memref_slice %arg17[%mul3A_60] : memref<10240xf32, #tpu.memory_space<vmem_shared>> -> memref<640xf32, #tpu.memory_space<vmem_shared>>
      tpu.wait_dma2 semaphore(%run_scoped3A : memref<!tpu.dma_semaphore, #tpu.memory_space<semaphore_mem>>) src(%arg14 : memref<640xf32, #tpu.memory_space<vmem>>) dst(%dma_wait3A_187 : memref<640xf32, #tpu.memory_space<vmem_shared>>)
      tpu.yield
    }) : () -> ()
    %barrier3A_61 = arith.constant 0 : index
    tpu.barrier barrier_id(%barrier3A_61)
    "tpu.region"() ({
      %run_scoped3A = tpu.sem_alloc : memref<!tpu.dma_semaphore, #tpu.memory_space<semaphore_mem>>
      tpu.enqueue_dma source(%arg17 : memref<10240xf32, #tpu.memory_space<vmem_shared>>) target(%arg11 : memref<10240xf32, #tpu.memory_space<vmem>>) target_semaphore(%run_scoped3A : memref<!tpu.dma_semaphore, #tpu.memory_space<semaphore_mem>>)
      tpu.wait_dma2 semaphore(%run_scoped3A : memref<!tpu.dma_semaphore, #tpu.memory_space<semaphore_mem>>) src(%arg17 : memref<10240xf32, #tpu.memory_space<vmem_shared>>) dst(%arg11 : memref<10240xf32, #tpu.memory_space<vmem>>)
      tpu.yield
    }) : () -> ()
    %scan3A_62 = arith.constant 0 : i32
    %scan3A_63 = arith.constant 0 : i32
    %scan3A_64 = arith.constant 1250 : i32
    %scan3A_65 = arith.addi %scan3A_63, %scan3A_64 : i32
    %scan3A_66 = arith.constant 1 : i32
    %scan3A_67 = scf.for %scan3A_186 = %scan3A_63 to %scan3A_65 step %scan3A_66 iter_args(%scan3A_187 = %scan3A_62) -> (i32)  : i32 {
      %mul3A_188 = arith.constant 16 : i32
      %mul3A_189 = arith.muli %scan3A_186, %mul3A_188 : i32
      %get3A_190 = arith.index_cast %mul3A_189 : i32 to index
      %get3A_191 = tpu.vector_load %arg7[%get3A_190] {strides = array<i32>} : memref<20000xi32, #tpu.memory_space<vmem>>, vector<16xi32>,
      %get3A_192 = arith.index_cast %mul3A_189 : i32 to index
      %get3A_193 = tpu.vector_load %arg8[%get3A_192] {strides = array<i32>} : memref<20000xi32, #tpu.memory_space<vmem>>, vector<16xi32>,
      %gather3A = tpu.vector_load_idx %arg11[%get3A_191] : memref<10240xf32, #tpu.memory_space<vmem>>[vector<16xi32>], vector<16xf32>,
      %gather3A_194 = tpu.vector_load_idx %arg11[%get3A_193] : memref<10240xf32, #tpu.memory_space<vmem>>[vector<16xi32>], vector<16xf32>,
      %mul3A_195 = arith.mulf %gather3A, %gather3A_194 : vector<16xf32>
      %swap3A_196 = arith.index_cast %mul3A_189 : i32 to index
      %swap3A_197 = tpu.vector_load %arg9[%swap3A_196] {strides = array<i32>} : memref<20000xf32, #tpu.memory_space<vmem>>, vector<16xf32>,
      tpu.vector_store %arg9[%swap3A_196], %mul3A_195 {strides = array<i32>} : memref<20000xf32, #tpu.memory_space<vmem>>, vector<16xf32>,
      %scan3A_198 = arith.constant 0 : i32
      scf.yield %scan3A_198 : i32
    }
    %scan3A_68 = arith.constant 1250 : i32
    %scan3A_69 = arith.constant 0 : i32
    %scan3A_70 = arith.constant 0 : i32
    %scan3A_71 = arith.constant 640 : i32
    %scan3A_72 = arith.addi %scan3A_70, %scan3A_71 : i32
    %scan3A_73 = arith.constant 1 : i32
    %scan3A_74 = scf.for %scan3A_186 = %scan3A_70 to %scan3A_72 step %scan3A_73 iter_args(%scan3A_187 = %scan3A_69) -> (i32)  : i32 {
      %mul3A_188 = arith.constant 16 : i32
      %mul3A_189 = arith.muli %scan3A_186, %mul3A_188 : i32
      %swap3A_190 = arith.index_cast %mul3A_189 : i32 to index
      %swap3A_191 = tpu.vector_load %arg12[%swap3A_190] {strides = array<i32>} : memref<10240xf32, #tpu.memory_space<vmem>>, vector<16xf32>,
      tpu.vector_store %arg12[%swap3A_190], %broadcast_in_dim3A_3 {strides = array<i32>} : memref<10240xf32, #tpu.memory_space<vmem>>, vector<16xf32>,
      %scan3A_192 = arith.constant 0 : i32
      scf.yield %scan3A_192 : i32
    }
    %scan3A_75 = arith.constant 640 : i32
    %scan3A_76 = arith.constant 0 : i32
    %scan3A_77 = arith.constant 0 : i32
    %scan3A_78 = arith.constant 1250 : i32
    %scan3A_79 = arith.addi %scan3A_77, %scan3A_78 : i32
    %scan3A_80 = arith.constant 1 : i32
    %scan3A_81 = scf.for %scan3A_186 = %scan3A_77 to %scan3A_79 step %scan3A_80 iter_args(%scan3A_187 = %scan3A_76) -> (i32)  : i32 {
      %mul3A_188 = arith.constant 16 : i32
      %mul3A_189 = arith.muli %scan3A_186, %mul3A_188 : i32
      %get3A_190 = arith.index_cast %mul3A_189 : i32 to index
      %get3A_191 = tpu.vector_load %arg7[%get3A_190] {strides = array<i32>} : memref<20000xi32, #tpu.memory_space<vmem>>, vector<16xi32>,
      %gather3A = tpu.vector_load_idx %arg10[%get3A_191] : memref<10240xf32, #tpu.memory_space<vmem>>[vector<16xi32>], vector<16xf32>,
      %get3A_192 = arith.index_cast %mul3A_189 : i32 to index
      %get3A_193 = tpu.vector_load %arg9[%get3A_192] {strides = array<i32>} : memref<20000xf32, #tpu.memory_space<vmem>>, vector<16xf32>,
      %get3A_194 = arith.index_cast %mul3A_189 : i32 to index
      %get3A_195 = tpu.vector_load %arg8[%get3A_194] {strides = array<i32>} : memref<20000xi32, #tpu.memory_space<vmem>>, vector<16xi32>,
      %mul3A_196 = arith.mulf %gather3A, %get3A_193 : vector<16xf32>
      tpu.vector_store_idx %arg12[%get3A_195], %mul3A_196 {add = true} : memref<10240xf32, #tpu.memory_space<vmem>>[vector<16xi32>], vector<16xf32>,
      %scan3A_197 = arith.constant 0 : i32
      scf.yield %scan3A_197 : i32
    }
    %scan3A_82 = arith.constant 1250 : i32
    "tpu.region"() ({
      %run_scoped3A = tpu.sem_alloc : memref<!tpu.dma_semaphore, #tpu.memory_space<semaphore_mem>>
      %dma_start3A = arith.constant 0 : i32
      %dma_start3A_186 = tpu.memref_slice %arg16[%arg1, %dma_start3A] : memref<16x10240xf32, #tpu.memory_space<vmem_shared>> -> memref<1x10240xf32, #tpu.memory_space<vmem_shared>>
      %dma_start3A_187 = tpu.memref_squeeze %dma_start3A_186 : memref<1x10240xf32, #tpu.memory_space<vmem_shared>> -> memref<10240xf32, #tpu.memory_space<vmem_shared>>
      %dma_start3A_188 = arith.constant 0 : i32
      %dma_start3A_189 = tpu.memref_slice %arg16[%arg1, %dma_start3A_188] : memref<16x10240xf32, #tpu.memory_space<vmem_shared>> -> memref<1x10240xf32, #tpu.memory_space<vmem_shared>>
      %dma_start3A_190 = tpu.memref_squeeze %dma_start3A_189 : memref<1x10240xf32, #tpu.memory_space<vmem_shared>> -> memref<10240xf32, #tpu.memory_space<vmem_shared>>
      tpu.enqueue_dma source(%arg12 : memref<10240xf32, #tpu.memory_space<vmem>>) target(%dma_start3A_190 : memref<10240xf32, #tpu.memory_space<vmem_shared>>) target_semaphore(%run_scoped3A : memref<!tpu.dma_semaphore, #tpu.memory_space<semaphore_mem>>)
      %dma_wait3A = arith.constant 0 : i32
      %dma_wait3A_191 = tpu.memref_slice %arg16[%arg1, %dma_wait3A] : memref<16x10240xf32, #tpu.memory_space<vmem_shared>> -> memref<1x10240xf32, #tpu.memory_space<vmem_shared>>
      %dma_wait3A_192 = tpu.memref_squeeze %dma_wait3A_191 : memref<1x10240xf32, #tpu.memory_space<vmem_shared>> -> memref<10240xf32, #tpu.memory_space<vmem_shared>>
      %dma_wait3A_193 = arith.constant 0 : i32
      %dma_wait3A_194 = tpu.memref_slice %arg16[%arg1, %dma_wait3A_193] : memref<16x10240xf32, #tpu.memory_space<vmem_shared>> -> memref<1x10240xf32, #tpu.memory_space<vmem_shared>>
      %dma_wait3A_195 = tpu.memref_squeeze %dma_wait3A_194 : memref<1x10240xf32, #tpu.memory_space<vmem_shared>> -> memref<10240xf32, #tpu.memory_space<vmem_shared>>
      tpu.wait_dma2 semaphore(%run_scoped3A : memref<!tpu.dma_semaphore, #tpu.memory_space<semaphore_mem>>) src(%arg12 : memref<10240xf32, #tpu.memory_space<vmem>>) dst(%dma_wait3A_195 : memref<10240xf32, #tpu.memory_space<vmem_shared>>)
      tpu.yield
    }) : () -> ()
    %barrier3A_83 = arith.constant 0 : index
    tpu.barrier barrier_id(%barrier3A_83)
    %mul3A_84 = arith.constant 640 : i32
    %mul3A_85 = arith.muli %arg1, %mul3A_84 : i32
    "tpu.region"() ({
      %run_scoped3A = tpu.sem_alloc : memref<!tpu.dma_semaphore, #tpu.memory_space<semaphore_mem>>
      %dma_start3A = arith.constant 0 : i32
      %dma_start3A_186 = tpu.memref_slice %arg16[%dma_start3A, %mul3A_85] : memref<16x10240xf32, #tpu.memory_space<vmem_shared>> -> memref<16x640xf32, #tpu.memory_space<vmem_shared>>
      %dma_start3A_187 = arith.constant 0 : i32
      %dma_start3A_188 = tpu.memref_slice %arg16[%dma_start3A_187, %mul3A_85] : memref<16x10240xf32, #tpu.memory_space<vmem_shared>> -> memref<16x640xf32, #tpu.memory_space<vmem_shared>>
      tpu.enqueue_dma source(%dma_start3A_188 : memref<16x640xf32, #tpu.memory_space<vmem_shared>>) target(%arg13 : memref<16x640xf32, #tpu.memory_space<vmem>>) target_semaphore(%run_scoped3A : memref<!tpu.dma_semaphore, #tpu.memory_space<semaphore_mem>>)
      %dma_wait3A = arith.constant 0 : i32
      %dma_wait3A_189 = tpu.memref_slice %arg16[%dma_wait3A, %mul3A_85] : memref<16x10240xf32, #tpu.memory_space<vmem_shared>> -> memref<16x640xf32, #tpu.memory_space<vmem_shared>>
      %dma_wait3A_190 = arith.constant 0 : i32
      %dma_wait3A_191 = tpu.memref_slice %arg16[%dma_wait3A_190, %mul3A_85] : memref<16x10240xf32, #tpu.memory_space<vmem_shared>> -> memref<16x640xf32, #tpu.memory_space<vmem_shared>>
      tpu.wait_dma2 semaphore(%run_scoped3A : memref<!tpu.dma_semaphore, #tpu.memory_space<semaphore_mem>>) src(%dma_wait3A_191 : memref<16x640xf32, #tpu.memory_space<vmem_shared>>) dst(%arg13 : memref<16x640xf32, #tpu.memory_space<vmem>>)
      tpu.yield
    }) : () -> ()
    %get3A = arith.constant 0 : index
    %get3A_86 = tpu.vector_load %arg15[%get3A] {strides = array<i32>} : memref<64xf32, #tpu.memory_space<vmem>>, vector<16xf32>,
    %scan3A_87 = arith.constant 0 : i32
    %scan3A_88 = arith.constant 0 : i32
    %scan3A_89 = arith.constant 40 : i32
    %scan3A_90 = arith.addi %scan3A_88, %scan3A_89 : i32
    %scan3A_91 = arith.constant 1 : i32
    %scan3A_92 = scf.for %scan3A_186 = %scan3A_88 to %scan3A_90 step %scan3A_91 iter_args(%scan3A_187 = %scan3A_87) -> (i32)  : i32 {
      %mul3A_188 = arith.constant 16 : i32
      %mul3A_189 = arith.muli %scan3A_186, %mul3A_188 : i32
      %get3A_190 = arith.constant 0 : i32
      %get3A_191 = arith.index_cast %get3A_190 : i32 to index
      %get3A_192 = arith.index_cast %mul3A_189 : i32 to index
      %get3A_193 = tpu.vector_load %arg13[%get3A_191, %get3A_192] {strides = array<i32>} : memref<16x640xf32, #tpu.memory_space<vmem>>, vector<16xf32>,
      %get3A_194 = arith.constant 1 : i32
      %get3A_195 = arith.index_cast %get3A_194 : i32 to index
      %get3A_196 = arith.index_cast %mul3A_189 : i32 to index
      %get3A_197 = tpu.vector_load %arg13[%get3A_195, %get3A_196] {strides = array<i32>} : memref<16x640xf32, #tpu.memory_space<vmem>>, vector<16xf32>,
      %add3A_198 = arith.addf %get3A_193, %get3A_197 : vector<16xf32>
      %get3A_199 = arith.constant 2 : i32
      %get3A_200 = arith.index_cast %get3A_199 : i32 to index
      %get3A_201 = arith.index_cast %mul3A_189 : i32 to index
      %get3A_202 = tpu.vector_load %arg13[%get3A_200, %get3A_201] {strides = array<i32>} : memref<16x640xf32, #tpu.memory_space<vmem>>, vector<16xf32>,
      %add3A_203 = arith.addf %add3A_198, %get3A_202 : vector<16xf32>
      %get3A_204 = arith.constant 3 : i32
      %get3A_205 = arith.index_cast %get3A_204 : i32 to index
      %get3A_206 = arith.index_cast %mul3A_189 : i32 to index
      %get3A_207 = tpu.vector_load %arg13[%get3A_205, %get3A_206] {strides = array<i32>} : memref<16x640xf32, #tpu.memory_space<vmem>>, vector<16xf32>,
      %add3A_208 = arith.addf %add3A_203, %get3A_207 : vector<16xf32>
      %get3A_209 = arith.constant 4 : i32
      %get3A_210 = arith.index_cast %get3A_209 : i32 to index
      %get3A_211 = arith.index_cast %mul3A_189 : i32 to index
      %get3A_212 = tpu.vector_load %arg13[%get3A_210, %get3A_211] {strides = array<i32>} : memref<16x640xf32, #tpu.memory_space<vmem>>, vector<16xf32>,
      %add3A_213 = arith.addf %add3A_208, %get3A_212 : vector<16xf32>
      %get3A_214 = arith.constant 5 : i32
      %get3A_215 = arith.index_cast %get3A_214 : i32 to index
      %get3A_216 = arith.index_cast %mul3A_189 : i32 to index
      %get3A_217 = tpu.vector_load %arg13[%get3A_215, %get3A_216] {strides = array<i32>} : memref<16x640xf32, #tpu.memory_space<vmem>>, vector<16xf32>,
      %add3A_218 = arith.addf %add3A_213, %get3A_217 : vector<16xf32>
      %get3A_219 = arith.constant 6 : i32
      %get3A_220 = arith.index_cast %get3A_219 : i32 to index
      %get3A_221 = arith.index_cast %mul3A_189 : i32 to index
      %get3A_222 = tpu.vector_load %arg13[%get3A_220, %get3A_221] {strides = array<i32>} : memref<16x640xf32, #tpu.memory_space<vmem>>, vector<16xf32>,
      %add3A_223 = arith.addf %add3A_218, %get3A_222 : vector<16xf32>
      %get3A_224 = arith.constant 7 : i32
      %get3A_225 = arith.index_cast %get3A_224 : i32 to index
      %get3A_226 = arith.index_cast %mul3A_189 : i32 to index
      %get3A_227 = tpu.vector_load %arg13[%get3A_225, %get3A_226] {strides = array<i32>} : memref<16x640xf32, #tpu.memory_space<vmem>>, vector<16xf32>,
      %add3A_228 = arith.addf %add3A_223, %get3A_227 : vector<16xf32>
      %get3A_229 = arith.constant 8 : i32
      %get3A_230 = arith.index_cast %get3A_229 : i32 to index
      %get3A_231 = arith.index_cast %mul3A_189 : i32 to index
      %get3A_232 = tpu.vector_load %arg13[%get3A_230, %get3A_231] {strides = array<i32>} : memref<16x640xf32, #tpu.memory_space<vmem>>, vector<16xf32>,
      %add3A_233 = arith.addf %add3A_228, %get3A_232 : vector<16xf32>
      %get3A_234 = arith.constant 9 : i32
      %get3A_235 = arith.index_cast %get3A_234 : i32 to index
      %get3A_236 = arith.index_cast %mul3A_189 : i32 to index
      %get3A_237 = tpu.vector_load %arg13[%get3A_235, %get3A_236] {strides = array<i32>} : memref<16x640xf32, #tpu.memory_space<vmem>>, vector<16xf32>,
      %add3A_238 = arith.addf %add3A_233, %get3A_237 : vector<16xf32>
      %get3A_239 = arith.constant 10 : i32
      %get3A_240 = arith.index_cast %get3A_239 : i32 to index
      %get3A_241 = arith.index_cast %mul3A_189 : i32 to index
      %get3A_242 = tpu.vector_load %arg13[%get3A_240, %get3A_241] {strides = array<i32>} : memref<16x640xf32, #tpu.memory_space<vmem>>, vector<16xf32>,
      %add3A_243 = arith.addf %add3A_238, %get3A_242 : vector<16xf32>
      %get3A_244 = arith.constant 11 : i32
      %get3A_245 = arith.index_cast %get3A_244 : i32 to index
      %get3A_246 = arith.index_cast %mul3A_189 : i32 to index
      %get3A_247 = tpu.vector_load %arg13[%get3A_245, %get3A_246] {strides = array<i32>} : memref<16x640xf32, #tpu.memory_space<vmem>>, vector<16xf32>,
      %add3A_248 = arith.addf %add3A_243, %get3A_247 : vector<16xf32>
      %get3A_249 = arith.constant 12 : i32
      %get3A_250 = arith.index_cast %get3A_249 : i32 to index
      %get3A_251 = arith.index_cast %mul3A_189 : i32 to index
      %get3A_252 = tpu.vector_load %arg13[%get3A_250, %get3A_251] {strides = array<i32>} : memref<16x640xf32, #tpu.memory_space<vmem>>, vector<16xf32>,
      %add3A_253 = arith.addf %add3A_248, %get3A_252 : vector<16xf32>
      %get3A_254 = arith.constant 13 : i32
      %get3A_255 = arith.index_cast %get3A_254 : i32 to index
      %get3A_256 = arith.index_cast %mul3A_189 : i32 to index
      %get3A_257 = tpu.vector_load %arg13[%get3A_255, %get3A_256] {strides = array<i32>} : memref<16x640xf32, #tpu.memory_space<vmem>>, vector<16xf32>,
      %add3A_258 = arith.addf %add3A_253, %get3A_257 : vector<16xf32>
      %get3A_259 = arith.constant 14 : i32
      %get3A_260 = arith.index_cast %get3A_259 : i32 to index
      %get3A_261 = arith.index_cast %mul3A_189 : i32 to index
      %get3A_262 = tpu.vector_load %arg13[%get3A_260, %get3A_261] {strides = array<i32>} : memref<16x640xf32, #tpu.memory_space<vmem>>, vector<16xf32>,
      %add3A_263 = arith.addf %add3A_258, %get3A_262 : vector<16xf32>
      %get3A_264 = arith.constant 15 : i32
      %get3A_265 = arith.index_cast %get3A_264 : i32 to index
      %get3A_266 = arith.index_cast %mul3A_189 : i32 to index
      %get3A_267 = tpu.vector_load %arg13[%get3A_265, %get3A_266] {strides = array<i32>} : memref<16x640xf32, #tpu.memory_space<vmem>>, vector<16xf32>,
      %add3A_268 = arith.addf %add3A_263, %get3A_267 : vector<16xf32>
      %mul3A_269 = arith.constant 640 : i32
      %mul3A_270 = arith.muli %arg1, %mul3A_269 : i32
      %add3A_271 = arith.addi %mul3A_270, %mul3A_189 : i32
      %get3A_272 = arith.index_cast %add3A_271 : i32 to index
      %get3A_273 = tpu.vector_load %arg11[%get3A_272] {strides = array<i32>} : memref<10240xf32, #tpu.memory_space<vmem>>, vector<16xf32>,
      %get3A_274 = arith.index_cast %add3A_271 : i32 to index
      %get3A_275 = tpu.vector_load %arg10[%get3A_274] {strides = array<i32>} : memref<10240xf32, #tpu.memory_space<vmem>>, vector<16xf32>,
      %mul3A_276 = arith.mulf %get3A_273, %get3A_273 : vector<16xf32>
      %mul3A_277 = arith.mulf %mul3A_276, %get3A_275 : vector<16xf32>
      %add3A_278 = arith.addf %add3A_268, %mul3A_277 : vector<16xf32>
      %add3A_279 = arith.addf %add3A_278, %get3A_86 : vector<16xf32>
      %swap3A_280 = arith.index_cast %mul3A_189 : i32 to index
      %swap3A_281 = tpu.vector_load %arg14[%swap3A_280] {strides = array<i32>} : memref<640xf32, #tpu.memory_space<vmem>>, vector<16xf32>,
      tpu.vector_store %arg14[%swap3A_280], %add3A_279 {strides = array<i32>} : memref<640xf32, #tpu.memory_space<vmem>>, vector<16xf32>,
      %scan3A_282 = arith.constant 0 : i32
      scf.yield %scan3A_282 : i32
    }
    %scan3A_93 = arith.constant 40 : i32
    %mul3A_94 = arith.constant 640 : i32
    %mul3A_95 = arith.muli %arg1, %mul3A_94 : i32
    "tpu.region"() ({
      %run_scoped3A = tpu.sem_alloc : memref<!tpu.dma_semaphore, #tpu.memory_space<semaphore_mem>>
      %dma_start3A = tpu.memref_slice %arg17[%mul3A_95] : memref<10240xf32, #tpu.memory_space<vmem_shared>> -> memref<640xf32, #tpu.memory_space<vmem_shared>>
      %dma_start3A_186 = tpu.memref_slice %arg17[%mul3A_95] : memref<10240xf32, #tpu.memory_space<vmem_shared>> -> memref<640xf32, #tpu.memory_space<vmem_shared>>
      tpu.enqueue_dma source(%arg14 : memref<640xf32, #tpu.memory_space<vmem>>) target(%dma_start3A_186 : memref<640xf32, #tpu.memory_space<vmem_shared>>) target_semaphore(%run_scoped3A : memref<!tpu.dma_semaphore, #tpu.memory_space<semaphore_mem>>)
      %dma_wait3A = tpu.memref_slice %arg17[%mul3A_95] : memref<10240xf32, #tpu.memory_space<vmem_shared>> -> memref<640xf32, #tpu.memory_space<vmem_shared>>
      %dma_wait3A_187 = tpu.memref_slice %arg17[%mul3A_95] : memref<10240xf32, #tpu.memory_space<vmem_shared>> -> memref<640xf32, #tpu.memory_space<vmem_shared>>
      tpu.wait_dma2 semaphore(%run_scoped3A : memref<!tpu.dma_semaphore, #tpu.memory_space<semaphore_mem>>) src(%arg14 : memref<640xf32, #tpu.memory_space<vmem>>) dst(%dma_wait3A_187 : memref<640xf32, #tpu.memory_space<vmem_shared>>)
      tpu.yield
    }) : () -> ()
    %barrier3A_96 = arith.constant 0 : index
    tpu.barrier barrier_id(%barrier3A_96)
    "tpu.region"() ({
      %run_scoped3A = tpu.sem_alloc : memref<!tpu.dma_semaphore, #tpu.memory_space<semaphore_mem>>
      tpu.enqueue_dma source(%arg17 : memref<10240xf32, #tpu.memory_space<vmem_shared>>) target(%arg10 : memref<10240xf32, #tpu.memory_space<vmem>>) target_semaphore(%run_scoped3A : memref<!tpu.dma_semaphore, #tpu.memory_space<semaphore_mem>>)
      tpu.wait_dma2 semaphore(%run_scoped3A : memref<!tpu.dma_semaphore, #tpu.memory_space<semaphore_mem>>) src(%arg17 : memref<10240xf32, #tpu.memory_space<vmem_shared>>) dst(%arg10 : memref<10240xf32, #tpu.memory_space<vmem>>)
      tpu.yield
    }) : () -> ()
    %scan3A_97 = arith.constant 0 : i32
    %scan3A_98 = arith.constant 0 : i32
    %scan3A_99 = arith.constant 640 : i32
    %scan3A_100 = arith.addi %scan3A_98, %scan3A_99 : i32
    %scan3A_101 = arith.constant 1 : i32
    %scan3A_102 = scf.for %scan3A_186 = %scan3A_98 to %scan3A_100 step %scan3A_101 iter_args(%scan3A_187 = %scan3A_97) -> (i32)  : i32 {
      %mul3A_188 = arith.constant 16 : i32
      %mul3A_189 = arith.muli %scan3A_186, %mul3A_188 : i32
      %swap3A_190 = arith.index_cast %mul3A_189 : i32 to index
      %swap3A_191 = tpu.vector_load %arg12[%swap3A_190] {strides = array<i32>} : memref<10240xf32, #tpu.memory_space<vmem>>, vector<16xf32>,
      tpu.vector_store %arg12[%swap3A_190], %broadcast_in_dim3A_3 {strides = array<i32>} : memref<10240xf32, #tpu.memory_space<vmem>>, vector<16xf32>,
      %scan3A_192 = arith.constant 0 : i32
      scf.yield %scan3A_192 : i32
    }
    %scan3A_103 = arith.constant 640 : i32
    %scan3A_104 = arith.constant 0 : i32
    %scan3A_105 = arith.constant 0 : i32
    %scan3A_106 = arith.constant 1250 : i32
    %scan3A_107 = arith.addi %scan3A_105, %scan3A_106 : i32
    %scan3A_108 = arith.constant 1 : i32
    %scan3A_109 = scf.for %scan3A_186 = %scan3A_105 to %scan3A_107 step %scan3A_108 iter_args(%scan3A_187 = %scan3A_104) -> (i32)  : i32 {
      %mul3A_188 = arith.constant 16 : i32
      %mul3A_189 = arith.muli %scan3A_186, %mul3A_188 : i32
      %get3A_190 = arith.index_cast %mul3A_189 : i32 to index
      %get3A_191 = tpu.vector_load %arg7[%get3A_190] {strides = array<i32>} : memref<20000xi32, #tpu.memory_space<vmem>>, vector<16xi32>,
      %gather3A = tpu.vector_load_idx %arg10[%get3A_191] : memref<10240xf32, #tpu.memory_space<vmem>>[vector<16xi32>], vector<16xf32>,
      %get3A_192 = arith.index_cast %mul3A_189 : i32 to index
      %get3A_193 = tpu.vector_load %arg9[%get3A_192] {strides = array<i32>} : memref<20000xf32, #tpu.memory_space<vmem>>, vector<16xf32>,
      %get3A_194 = arith.index_cast %mul3A_189 : i32 to index
      %get3A_195 = tpu.vector_load %arg8[%get3A_194] {strides = array<i32>} : memref<20000xi32, #tpu.memory_space<vmem>>, vector<16xi32>,
      %mul3A_196 = arith.mulf %gather3A, %get3A_193 : vector<16xf32>
      tpu.vector_store_idx %arg12[%get3A_195], %mul3A_196 {add = true} : memref<10240xf32, #tpu.memory_space<vmem>>[vector<16xi32>], vector<16xf32>,
      %scan3A_197 = arith.constant 0 : i32
      scf.yield %scan3A_197 : i32
    }
    %scan3A_110 = arith.constant 1250 : i32
    "tpu.region"() ({
      %run_scoped3A = tpu.sem_alloc : memref<!tpu.dma_semaphore, #tpu.memory_space<semaphore_mem>>
      %dma_start3A = arith.constant 0 : i32
      %dma_start3A_186 = tpu.memref_slice %arg16[%arg1, %dma_start3A] : memref<16x10240xf32, #tpu.memory_space<vmem_shared>> -> memref<1x10240xf32, #tpu.memory_space<vmem_shared>>
      %dma_start3A_187 = tpu.memref_squeeze %dma_start3A_186 : memref<1x10240xf32, #tpu.memory_space<vmem_shared>> -> memref<10240xf32, #tpu.memory_space<vmem_shared>>
      %dma_start3A_188 = arith.constant 0 : i32
      %dma_start3A_189 = tpu.memref_slice %arg16[%arg1, %dma_start3A_188] : memref<16x10240xf32, #tpu.memory_space<vmem_shared>> -> memref<1x10240xf32, #tpu.memory_space<vmem_shared>>
      %dma_start3A_190 = tpu.memref_squeeze %dma_start3A_189 : memref<1x10240xf32, #tpu.memory_space<vmem_shared>> -> memref<10240xf32, #tpu.memory_space<vmem_shared>>
      tpu.enqueue_dma source(%arg12 : memref<10240xf32, #tpu.memory_space<vmem>>) target(%dma_start3A_190 : memref<10240xf32, #tpu.memory_space<vmem_shared>>) target_semaphore(%run_scoped3A : memref<!tpu.dma_semaphore, #tpu.memory_space<semaphore_mem>>)
      %dma_wait3A = arith.constant 0 : i32
      %dma_wait3A_191 = tpu.memref_slice %arg16[%arg1, %dma_wait3A] : memref<16x10240xf32, #tpu.memory_space<vmem_shared>> -> memref<1x10240xf32, #tpu.memory_space<vmem_shared>>
      %dma_wait3A_192 = tpu.memref_squeeze %dma_wait3A_191 : memref<1x10240xf32, #tpu.memory_space<vmem_shared>> -> memref<10240xf32, #tpu.memory_space<vmem_shared>>
      %dma_wait3A_193 = arith.constant 0 : i32
      %dma_wait3A_194 = tpu.memref_slice %arg16[%arg1, %dma_wait3A_193] : memref<16x10240xf32, #tpu.memory_space<vmem_shared>> -> memref<1x10240xf32, #tpu.memory_space<vmem_shared>>
      %dma_wait3A_195 = tpu.memref_squeeze %dma_wait3A_194 : memref<1x10240xf32, #tpu.memory_space<vmem_shared>> -> memref<10240xf32, #tpu.memory_space<vmem_shared>>
      tpu.wait_dma2 semaphore(%run_scoped3A : memref<!tpu.dma_semaphore, #tpu.memory_space<semaphore_mem>>) src(%arg12 : memref<10240xf32, #tpu.memory_space<vmem>>) dst(%dma_wait3A_195 : memref<10240xf32, #tpu.memory_space<vmem_shared>>)
      tpu.yield
    }) : () -> ()
    %barrier3A_111 = arith.constant 0 : index
    tpu.barrier barrier_id(%barrier3A_111)
    %mul3A_112 = arith.constant 640 : i32
    %mul3A_113 = arith.muli %arg1, %mul3A_112 : i32
    "tpu.region"() ({
      %run_scoped3A = tpu.sem_alloc : memref<!tpu.dma_semaphore, #tpu.memory_space<semaphore_mem>>
      %dma_start3A = arith.constant 0 : i32
      %dma_start3A_186 = tpu.memref_slice %arg16[%dma_start3A, %mul3A_113] : memref<16x10240xf32, #tpu.memory_space<vmem_shared>> -> memref<16x640xf32, #tpu.memory_space<vmem_shared>>
      %dma_start3A_187 = arith.constant 0 : i32
      %dma_start3A_188 = tpu.memref_slice %arg16[%dma_start3A_187, %mul3A_113] : memref<16x10240xf32, #tpu.memory_space<vmem_shared>> -> memref<16x640xf32, #tpu.memory_space<vmem_shared>>
      tpu.enqueue_dma source(%dma_start3A_188 : memref<16x640xf32, #tpu.memory_space<vmem_shared>>) target(%arg13 : memref<16x640xf32, #tpu.memory_space<vmem>>) target_semaphore(%run_scoped3A : memref<!tpu.dma_semaphore, #tpu.memory_space<semaphore_mem>>)
      %dma_wait3A = arith.constant 0 : i32
      %dma_wait3A_189 = tpu.memref_slice %arg16[%dma_wait3A, %mul3A_113] : memref<16x10240xf32, #tpu.memory_space<vmem_shared>> -> memref<16x640xf32, #tpu.memory_space<vmem_shared>>
      %dma_wait3A_190 = arith.constant 0 : i32
      %dma_wait3A_191 = tpu.memref_slice %arg16[%dma_wait3A_190, %mul3A_113] : memref<16x10240xf32, #tpu.memory_space<vmem_shared>> -> memref<16x640xf32, #tpu.memory_space<vmem_shared>>
      tpu.wait_dma2 semaphore(%run_scoped3A : memref<!tpu.dma_semaphore, #tpu.memory_space<semaphore_mem>>) src(%dma_wait3A_191 : memref<16x640xf32, #tpu.memory_space<vmem_shared>>) dst(%arg13 : memref<16x640xf32, #tpu.memory_space<vmem>>)
      tpu.yield
    }) : () -> ()
    %get3A_114 = arith.constant 16 : index
    %get3A_115 = tpu.vector_load %arg15[%get3A_114] {strides = array<i32>} : memref<64xf32, #tpu.memory_space<vmem>>, vector<16xf32>,
    %scan3A_116 = arith.constant 0 : i32
    %scan3A_117 = arith.constant 0 : i32
    %scan3A_118 = arith.constant 40 : i32
    %scan3A_119 = arith.addi %scan3A_117, %scan3A_118 : i32
    %scan3A_120 = arith.constant 1 : i32
    %scan3A_121 = scf.for %scan3A_186 = %scan3A_117 to %scan3A_119 step %scan3A_120 iter_args(%scan3A_187 = %scan3A_116) -> (i32)  : i32 {
      %mul3A_188 = arith.constant 16 : i32
      %mul3A_189 = arith.muli %scan3A_186, %mul3A_188 : i32
      %get3A_190 = arith.constant 0 : i32
      %get3A_191 = arith.index_cast %get3A_190 : i32 to index
      %get3A_192 = arith.index_cast %mul3A_189 : i32 to index
      %get3A_193 = tpu.vector_load %arg13[%get3A_191, %get3A_192] {strides = array<i32>} : memref<16x640xf32, #tpu.memory_space<vmem>>, vector<16xf32>,
      %get3A_194 = arith.constant 1 : i32
      %get3A_195 = arith.index_cast %get3A_194 : i32 to index
      %get3A_196 = arith.index_cast %mul3A_189 : i32 to index
      %get3A_197 = tpu.vector_load %arg13[%get3A_195, %get3A_196] {strides = array<i32>} : memref<16x640xf32, #tpu.memory_space<vmem>>, vector<16xf32>,
      %add3A_198 = arith.addf %get3A_193, %get3A_197 : vector<16xf32>
      %get3A_199 = arith.constant 2 : i32
      %get3A_200 = arith.index_cast %get3A_199 : i32 to index
      %get3A_201 = arith.index_cast %mul3A_189 : i32 to index
      %get3A_202 = tpu.vector_load %arg13[%get3A_200, %get3A_201] {strides = array<i32>} : memref<16x640xf32, #tpu.memory_space<vmem>>, vector<16xf32>,
      %add3A_203 = arith.addf %add3A_198, %get3A_202 : vector<16xf32>
      %get3A_204 = arith.constant 3 : i32
      %get3A_205 = arith.index_cast %get3A_204 : i32 to index
      %get3A_206 = arith.index_cast %mul3A_189 : i32 to index
      %get3A_207 = tpu.vector_load %arg13[%get3A_205, %get3A_206] {strides = array<i32>} : memref<16x640xf32, #tpu.memory_space<vmem>>, vector<16xf32>,
      %add3A_208 = arith.addf %add3A_203, %get3A_207 : vector<16xf32>
      %get3A_209 = arith.constant 4 : i32
      %get3A_210 = arith.index_cast %get3A_209 : i32 to index
      %get3A_211 = arith.index_cast %mul3A_189 : i32 to index
      %get3A_212 = tpu.vector_load %arg13[%get3A_210, %get3A_211] {strides = array<i32>} : memref<16x640xf32, #tpu.memory_space<vmem>>, vector<16xf32>,
      %add3A_213 = arith.addf %add3A_208, %get3A_212 : vector<16xf32>
      %get3A_214 = arith.constant 5 : i32
      %get3A_215 = arith.index_cast %get3A_214 : i32 to index
      %get3A_216 = arith.index_cast %mul3A_189 : i32 to index
      %get3A_217 = tpu.vector_load %arg13[%get3A_215, %get3A_216] {strides = array<i32>} : memref<16x640xf32, #tpu.memory_space<vmem>>, vector<16xf32>,
      %add3A_218 = arith.addf %add3A_213, %get3A_217 : vector<16xf32>
      %get3A_219 = arith.constant 6 : i32
      %get3A_220 = arith.index_cast %get3A_219 : i32 to index
      %get3A_221 = arith.index_cast %mul3A_189 : i32 to index
      %get3A_222 = tpu.vector_load %arg13[%get3A_220, %get3A_221] {strides = array<i32>} : memref<16x640xf32, #tpu.memory_space<vmem>>, vector<16xf32>,
      %add3A_223 = arith.addf %add3A_218, %get3A_222 : vector<16xf32>
      %get3A_224 = arith.constant 7 : i32
      %get3A_225 = arith.index_cast %get3A_224 : i32 to index
      %get3A_226 = arith.index_cast %mul3A_189 : i32 to index
      %get3A_227 = tpu.vector_load %arg13[%get3A_225, %get3A_226] {strides = array<i32>} : memref<16x640xf32, #tpu.memory_space<vmem>>, vector<16xf32>,
      %add3A_228 = arith.addf %add3A_223, %get3A_227 : vector<16xf32>
      %get3A_229 = arith.constant 8 : i32
      %get3A_230 = arith.index_cast %get3A_229 : i32 to index
      %get3A_231 = arith.index_cast %mul3A_189 : i32 to index
      %get3A_232 = tpu.vector_load %arg13[%get3A_230, %get3A_231] {strides = array<i32>} : memref<16x640xf32, #tpu.memory_space<vmem>>, vector<16xf32>,
      %add3A_233 = arith.addf %add3A_228, %get3A_232 : vector<16xf32>
      %get3A_234 = arith.constant 9 : i32
      %get3A_235 = arith.index_cast %get3A_234 : i32 to index
      %get3A_236 = arith.index_cast %mul3A_189 : i32 to index
      %get3A_237 = tpu.vector_load %arg13[%get3A_235, %get3A_236] {strides = array<i32>} : memref<16x640xf32, #tpu.memory_space<vmem>>, vector<16xf32>,
      %add3A_238 = arith.addf %add3A_233, %get3A_237 : vector<16xf32>
      %get3A_239 = arith.constant 10 : i32
      %get3A_240 = arith.index_cast %get3A_239 : i32 to index
      %get3A_241 = arith.index_cast %mul3A_189 : i32 to index
      %get3A_242 = tpu.vector_load %arg13[%get3A_240, %get3A_241] {strides = array<i32>} : memref<16x640xf32, #tpu.memory_space<vmem>>, vector<16xf32>,
      %add3A_243 = arith.addf %add3A_238, %get3A_242 : vector<16xf32>
      %get3A_244 = arith.constant 11 : i32
      %get3A_245 = arith.index_cast %get3A_244 : i32 to index
      %get3A_246 = arith.index_cast %mul3A_189 : i32 to index
      %get3A_247 = tpu.vector_load %arg13[%get3A_245, %get3A_246] {strides = array<i32>} : memref<16x640xf32, #tpu.memory_space<vmem>>, vector<16xf32>,
      %add3A_248 = arith.addf %add3A_243, %get3A_247 : vector<16xf32>
      %get3A_249 = arith.constant 12 : i32
      %get3A_250 = arith.index_cast %get3A_249 : i32 to index
      %get3A_251 = arith.index_cast %mul3A_189 : i32 to index
      %get3A_252 = tpu.vector_load %arg13[%get3A_250, %get3A_251] {strides = array<i32>} : memref<16x640xf32, #tpu.memory_space<vmem>>, vector<16xf32>,
      %add3A_253 = arith.addf %add3A_248, %get3A_252 : vector<16xf32>
      %get3A_254 = arith.constant 13 : i32
      %get3A_255 = arith.index_cast %get3A_254 : i32 to index
      %get3A_256 = arith.index_cast %mul3A_189 : i32 to index
      %get3A_257 = tpu.vector_load %arg13[%get3A_255, %get3A_256] {strides = array<i32>} : memref<16x640xf32, #tpu.memory_space<vmem>>, vector<16xf32>,
      %add3A_258 = arith.addf %add3A_253, %get3A_257 : vector<16xf32>
      %get3A_259 = arith.constant 14 : i32
      %get3A_260 = arith.index_cast %get3A_259 : i32 to index
      %get3A_261 = arith.index_cast %mul3A_189 : i32 to index
      %get3A_262 = tpu.vector_load %arg13[%get3A_260, %get3A_261] {strides = array<i32>} : memref<16x640xf32, #tpu.memory_space<vmem>>, vector<16xf32>,
      %add3A_263 = arith.addf %add3A_258, %get3A_262 : vector<16xf32>
      %get3A_264 = arith.constant 15 : i32
      %get3A_265 = arith.index_cast %get3A_264 : i32 to index
      %get3A_266 = arith.index_cast %mul3A_189 : i32 to index
      %get3A_267 = tpu.vector_load %arg13[%get3A_265, %get3A_266] {strides = array<i32>} : memref<16x640xf32, #tpu.memory_space<vmem>>, vector<16xf32>,
      %add3A_268 = arith.addf %add3A_263, %get3A_267 : vector<16xf32>
      %mul3A_269 = arith.constant 640 : i32
      %mul3A_270 = arith.muli %arg1, %mul3A_269 : i32
      %add3A_271 = arith.addi %mul3A_270, %mul3A_189 : i32
      %get3A_272 = arith.index_cast %add3A_271 : i32 to index
      %get3A_273 = tpu.vector_load %arg11[%get3A_272] {strides = array<i32>} : memref<10240xf32, #tpu.memory_space<vmem>>, vector<16xf32>,
      %get3A_274 = arith.index_cast %add3A_271 : i32 to index
      %get3A_275 = tpu.vector_load %arg10[%get3A_274] {strides = array<i32>} : memref<10240xf32, #tpu.memory_space<vmem>>, vector<16xf32>,
      %mul3A_276 = arith.mulf %get3A_273, %get3A_273 : vector<16xf32>
      %mul3A_277 = arith.mulf %mul3A_276, %get3A_275 : vector<16xf32>
      %add3A_278 = arith.addf %add3A_268, %mul3A_277 : vector<16xf32>
      %add3A_279 = arith.addf %add3A_278, %get3A_115 : vector<16xf32>
      %swap3A_280 = arith.index_cast %mul3A_189 : i32 to index
      %swap3A_281 = tpu.vector_load %arg14[%swap3A_280] {strides = array<i32>} : memref<640xf32, #tpu.memory_space<vmem>>, vector<16xf32>,
      tpu.vector_store %arg14[%swap3A_280], %add3A_279 {strides = array<i32>} : memref<640xf32, #tpu.memory_space<vmem>>, vector<16xf32>,
      %scan3A_282 = arith.constant 0 : i32
      scf.yield %scan3A_282 : i32
    }
    %scan3A_122 = arith.constant 40 : i32
    %mul3A_123 = arith.constant 640 : i32
    %mul3A_124 = arith.muli %arg1, %mul3A_123 : i32
    "tpu.region"() ({
      %run_scoped3A = tpu.sem_alloc : memref<!tpu.dma_semaphore, #tpu.memory_space<semaphore_mem>>
      %dma_start3A = tpu.memref_slice %arg17[%mul3A_124] : memref<10240xf32, #tpu.memory_space<vmem_shared>> -> memref<640xf32, #tpu.memory_space<vmem_shared>>
      %dma_start3A_186 = tpu.memref_slice %arg17[%mul3A_124] : memref<10240xf32, #tpu.memory_space<vmem_shared>> -> memref<640xf32, #tpu.memory_space<vmem_shared>>
      tpu.enqueue_dma source(%arg14 : memref<640xf32, #tpu.memory_space<vmem>>) target(%dma_start3A_186 : memref<640xf32, #tpu.memory_space<vmem_shared>>) target_semaphore(%run_scoped3A : memref<!tpu.dma_semaphore, #tpu.memory_space<semaphore_mem>>)
      %dma_wait3A = tpu.memref_slice %arg17[%mul3A_124] : memref<10240xf32, #tpu.memory_space<vmem_shared>> -> memref<640xf32, #tpu.memory_space<vmem_shared>>
      %dma_wait3A_187 = tpu.memref_slice %arg17[%mul3A_124] : memref<10240xf32, #tpu.memory_space<vmem_shared>> -> memref<640xf32, #tpu.memory_space<vmem_shared>>
      tpu.wait_dma2 semaphore(%run_scoped3A : memref<!tpu.dma_semaphore, #tpu.memory_space<semaphore_mem>>) src(%arg14 : memref<640xf32, #tpu.memory_space<vmem>>) dst(%dma_wait3A_187 : memref<640xf32, #tpu.memory_space<vmem_shared>>)
      tpu.yield
    }) : () -> ()
    %barrier3A_125 = arith.constant 0 : index
    tpu.barrier barrier_id(%barrier3A_125)
    "tpu.region"() ({
      %run_scoped3A = tpu.sem_alloc : memref<!tpu.dma_semaphore, #tpu.memory_space<semaphore_mem>>
      tpu.enqueue_dma source(%arg17 : memref<10240xf32, #tpu.memory_space<vmem_shared>>) target(%arg10 : memref<10240xf32, #tpu.memory_space<vmem>>) target_semaphore(%run_scoped3A : memref<!tpu.dma_semaphore, #tpu.memory_space<semaphore_mem>>)
      tpu.wait_dma2 semaphore(%run_scoped3A : memref<!tpu.dma_semaphore, #tpu.memory_space<semaphore_mem>>) src(%arg17 : memref<10240xf32, #tpu.memory_space<vmem_shared>>) dst(%arg10 : memref<10240xf32, #tpu.memory_space<vmem>>)
      tpu.yield
    }) : () -> ()
    %scan3A_126 = arith.constant 0 : i32
    %scan3A_127 = arith.constant 0 : i32
    %scan3A_128 = arith.constant 640 : i32
    %scan3A_129 = arith.addi %scan3A_127, %scan3A_128 : i32
    %scan3A_130 = arith.constant 1 : i32
    %scan3A_131 = scf.for %scan3A_186 = %scan3A_127 to %scan3A_129 step %scan3A_130 iter_args(%scan3A_187 = %scan3A_126) -> (i32)  : i32 {
      %mul3A_188 = arith.constant 16 : i32
      %mul3A_189 = arith.muli %scan3A_186, %mul3A_188 : i32
      %swap3A_190 = arith.index_cast %mul3A_189 : i32 to index
      %swap3A_191 = tpu.vector_load %arg12[%swap3A_190] {strides = array<i32>} : memref<10240xf32, #tpu.memory_space<vmem>>, vector<16xf32>,
      tpu.vector_store %arg12[%swap3A_190], %broadcast_in_dim3A_3 {strides = array<i32>} : memref<10240xf32, #tpu.memory_space<vmem>>, vector<16xf32>,
      %scan3A_192 = arith.constant 0 : i32
      scf.yield %scan3A_192 : i32
    }
    %scan3A_132 = arith.constant 640 : i32
    %scan3A_133 = arith.constant 0 : i32
    %scan3A_134 = arith.constant 0 : i32
    %scan3A_135 = arith.constant 1250 : i32
    %scan3A_136 = arith.addi %scan3A_134, %scan3A_135 : i32
    %scan3A_137 = arith.constant 1 : i32
    %scan3A_138 = scf.for %scan3A_186 = %scan3A_134 to %scan3A_136 step %scan3A_137 iter_args(%scan3A_187 = %scan3A_133) -> (i32)  : i32 {
      %mul3A_188 = arith.constant 16 : i32
      %mul3A_189 = arith.muli %scan3A_186, %mul3A_188 : i32
      %get3A_190 = arith.index_cast %mul3A_189 : i32 to index
      %get3A_191 = tpu.vector_load %arg7[%get3A_190] {strides = array<i32>} : memref<20000xi32, #tpu.memory_space<vmem>>, vector<16xi32>,
      %gather3A = tpu.vector_load_idx %arg10[%get3A_191] : memref<10240xf32, #tpu.memory_space<vmem>>[vector<16xi32>], vector<16xf32>,
      %get3A_192 = arith.index_cast %mul3A_189 : i32 to index
      %get3A_193 = tpu.vector_load %arg9[%get3A_192] {strides = array<i32>} : memref<20000xf32, #tpu.memory_space<vmem>>, vector<16xf32>,
      %get3A_194 = arith.index_cast %mul3A_189 : i32 to index
      %get3A_195 = tpu.vector_load %arg8[%get3A_194] {strides = array<i32>} : memref<20000xi32, #tpu.memory_space<vmem>>, vector<16xi32>,
      %mul3A_196 = arith.mulf %gather3A, %get3A_193 : vector<16xf32>
      tpu.vector_store_idx %arg12[%get3A_195], %mul3A_196 {add = true} : memref<10240xf32, #tpu.memory_space<vmem>>[vector<16xi32>], vector<16xf32>,
      %scan3A_197 = arith.constant 0 : i32
      scf.yield %scan3A_197 : i32
    }
    %scan3A_139 = arith.constant 1250 : i32
    "tpu.region"() ({
      %run_scoped3A = tpu.sem_alloc : memref<!tpu.dma_semaphore, #tpu.memory_space<semaphore_mem>>
      %dma_start3A = arith.constant 0 : i32
      %dma_start3A_186 = tpu.memref_slice %arg16[%arg1, %dma_start3A] : memref<16x10240xf32, #tpu.memory_space<vmem_shared>> -> memref<1x10240xf32, #tpu.memory_space<vmem_shared>>
      %dma_start3A_187 = tpu.memref_squeeze %dma_start3A_186 : memref<1x10240xf32, #tpu.memory_space<vmem_shared>> -> memref<10240xf32, #tpu.memory_space<vmem_shared>>
      %dma_start3A_188 = arith.constant 0 : i32
      %dma_start3A_189 = tpu.memref_slice %arg16[%arg1, %dma_start3A_188] : memref<16x10240xf32, #tpu.memory_space<vmem_shared>> -> memref<1x10240xf32, #tpu.memory_space<vmem_shared>>
      %dma_start3A_190 = tpu.memref_squeeze %dma_start3A_189 : memref<1x10240xf32, #tpu.memory_space<vmem_shared>> -> memref<10240xf32, #tpu.memory_space<vmem_shared>>
      tpu.enqueue_dma source(%arg12 : memref<10240xf32, #tpu.memory_space<vmem>>) target(%dma_start3A_190 : memref<10240xf32, #tpu.memory_space<vmem_shared>>) target_semaphore(%run_scoped3A : memref<!tpu.dma_semaphore, #tpu.memory_space<semaphore_mem>>)
      %dma_wait3A = arith.constant 0 : i32
      %dma_wait3A_191 = tpu.memref_slice %arg16[%arg1, %dma_wait3A] : memref<16x10240xf32, #tpu.memory_space<vmem_shared>> -> memref<1x10240xf32, #tpu.memory_space<vmem_shared>>
      %dma_wait3A_192 = tpu.memref_squeeze %dma_wait3A_191 : memref<1x10240xf32, #tpu.memory_space<vmem_shared>> -> memref<10240xf32, #tpu.memory_space<vmem_shared>>
      %dma_wait3A_193 = arith.constant 0 : i32
      %dma_wait3A_194 = tpu.memref_slice %arg16[%arg1, %dma_wait3A_193] : memref<16x10240xf32, #tpu.memory_space<vmem_shared>> -> memref<1x10240xf32, #tpu.memory_space<vmem_shared>>
      %dma_wait3A_195 = tpu.memref_squeeze %dma_wait3A_194 : memref<1x10240xf32, #tpu.memory_space<vmem_shared>> -> memref<10240xf32, #tpu.memory_space<vmem_shared>>
      tpu.wait_dma2 semaphore(%run_scoped3A : memref<!tpu.dma_semaphore, #tpu.memory_space<semaphore_mem>>) src(%arg12 : memref<10240xf32, #tpu.memory_space<vmem>>) dst(%dma_wait3A_195 : memref<10240xf32, #tpu.memory_space<vmem_shared>>)
      tpu.yield
    }) : () -> ()
    %barrier3A_140 = arith.constant 0 : index
    tpu.barrier barrier_id(%barrier3A_140)
    %mul3A_141 = arith.constant 640 : i32
    %mul3A_142 = arith.muli %arg1, %mul3A_141 : i32
    "tpu.region"() ({
      %run_scoped3A = tpu.sem_alloc : memref<!tpu.dma_semaphore, #tpu.memory_space<semaphore_mem>>
      %dma_start3A = arith.constant 0 : i32
      %dma_start3A_186 = tpu.memref_slice %arg16[%dma_start3A, %mul3A_142] : memref<16x10240xf32, #tpu.memory_space<vmem_shared>> -> memref<16x640xf32, #tpu.memory_space<vmem_shared>>
      %dma_start3A_187 = arith.constant 0 : i32
      %dma_start3A_188 = tpu.memref_slice %arg16[%dma_start3A_187, %mul3A_142] : memref<16x10240xf32, #tpu.memory_space<vmem_shared>> -> memref<16x640xf32, #tpu.memory_space<vmem_shared>>
      tpu.enqueue_dma source(%dma_start3A_188 : memref<16x640xf32, #tpu.memory_space<vmem_shared>>) target(%arg13 : memref<16x640xf32, #tpu.memory_space<vmem>>) target_semaphore(%run_scoped3A : memref<!tpu.dma_semaphore, #tpu.memory_space<semaphore_mem>>)
      %dma_wait3A = arith.constant 0 : i32
      %dma_wait3A_189 = tpu.memref_slice %arg16[%dma_wait3A, %mul3A_142] : memref<16x10240xf32, #tpu.memory_space<vmem_shared>> -> memref<16x640xf32, #tpu.memory_space<vmem_shared>>
      %dma_wait3A_190 = arith.constant 0 : i32
      %dma_wait3A_191 = tpu.memref_slice %arg16[%dma_wait3A_190, %mul3A_142] : memref<16x10240xf32, #tpu.memory_space<vmem_shared>> -> memref<16x640xf32, #tpu.memory_space<vmem_shared>>
      tpu.wait_dma2 semaphore(%run_scoped3A : memref<!tpu.dma_semaphore, #tpu.memory_space<semaphore_mem>>) src(%dma_wait3A_191 : memref<16x640xf32, #tpu.memory_space<vmem_shared>>) dst(%arg13 : memref<16x640xf32, #tpu.memory_space<vmem>>)
      tpu.yield
    }) : () -> ()
    %get3A_143 = arith.constant 32 : index
    %get3A_144 = tpu.vector_load %arg15[%get3A_143] {strides = array<i32>} : memref<64xf32, #tpu.memory_space<vmem>>, vector<16xf32>,
    %scan3A_145 = arith.constant 0 : i32
    %scan3A_146 = arith.constant 0 : i32
    %scan3A_147 = arith.constant 40 : i32
    %scan3A_148 = arith.addi %scan3A_146, %scan3A_147 : i32
    %scan3A_149 = arith.constant 1 : i32
    %scan3A_150 = scf.for %scan3A_186 = %scan3A_146 to %scan3A_148 step %scan3A_149 iter_args(%scan3A_187 = %scan3A_145) -> (i32)  : i32 {
      %mul3A_188 = arith.constant 16 : i32
      %mul3A_189 = arith.muli %scan3A_186, %mul3A_188 : i32
      %get3A_190 = arith.constant 0 : i32
      %get3A_191 = arith.index_cast %get3A_190 : i32 to index
      %get3A_192 = arith.index_cast %mul3A_189 : i32 to index
      %get3A_193 = tpu.vector_load %arg13[%get3A_191, %get3A_192] {strides = array<i32>} : memref<16x640xf32, #tpu.memory_space<vmem>>, vector<16xf32>,
      %get3A_194 = arith.constant 1 : i32
      %get3A_195 = arith.index_cast %get3A_194 : i32 to index
      %get3A_196 = arith.index_cast %mul3A_189 : i32 to index
      %get3A_197 = tpu.vector_load %arg13[%get3A_195, %get3A_196] {strides = array<i32>} : memref<16x640xf32, #tpu.memory_space<vmem>>, vector<16xf32>,
      %add3A_198 = arith.addf %get3A_193, %get3A_197 : vector<16xf32>
      %get3A_199 = arith.constant 2 : i32
      %get3A_200 = arith.index_cast %get3A_199 : i32 to index
      %get3A_201 = arith.index_cast %mul3A_189 : i32 to index
      %get3A_202 = tpu.vector_load %arg13[%get3A_200, %get3A_201] {strides = array<i32>} : memref<16x640xf32, #tpu.memory_space<vmem>>, vector<16xf32>,
      %add3A_203 = arith.addf %add3A_198, %get3A_202 : vector<16xf32>
      %get3A_204 = arith.constant 3 : i32
      %get3A_205 = arith.index_cast %get3A_204 : i32 to index
      %get3A_206 = arith.index_cast %mul3A_189 : i32 to index
      %get3A_207 = tpu.vector_load %arg13[%get3A_205, %get3A_206] {strides = array<i32>} : memref<16x640xf32, #tpu.memory_space<vmem>>, vector<16xf32>,
      %add3A_208 = arith.addf %add3A_203, %get3A_207 : vector<16xf32>
      %get3A_209 = arith.constant 4 : i32
      %get3A_210 = arith.index_cast %get3A_209 : i32 to index
      %get3A_211 = arith.index_cast %mul3A_189 : i32 to index
      %get3A_212 = tpu.vector_load %arg13[%get3A_210, %get3A_211] {strides = array<i32>} : memref<16x640xf32, #tpu.memory_space<vmem>>, vector<16xf32>,
      %add3A_213 = arith.addf %add3A_208, %get3A_212 : vector<16xf32>
      %get3A_214 = arith.constant 5 : i32
      %get3A_215 = arith.index_cast %get3A_214 : i32 to index
      %get3A_216 = arith.index_cast %mul3A_189 : i32 to index
      %get3A_217 = tpu.vector_load %arg13[%get3A_215, %get3A_216] {strides = array<i32>} : memref<16x640xf32, #tpu.memory_space<vmem>>, vector<16xf32>,
      %add3A_218 = arith.addf %add3A_213, %get3A_217 : vector<16xf32>
      %get3A_219 = arith.constant 6 : i32
      %get3A_220 = arith.index_cast %get3A_219 : i32 to index
      %get3A_221 = arith.index_cast %mul3A_189 : i32 to index
      %get3A_222 = tpu.vector_load %arg13[%get3A_220, %get3A_221] {strides = array<i32>} : memref<16x640xf32, #tpu.memory_space<vmem>>, vector<16xf32>,
      %add3A_223 = arith.addf %add3A_218, %get3A_222 : vector<16xf32>
      %get3A_224 = arith.constant 7 : i32
      %get3A_225 = arith.index_cast %get3A_224 : i32 to index
      %get3A_226 = arith.index_cast %mul3A_189 : i32 to index
      %get3A_227 = tpu.vector_load %arg13[%get3A_225, %get3A_226] {strides = array<i32>} : memref<16x640xf32, #tpu.memory_space<vmem>>, vector<16xf32>,
      %add3A_228 = arith.addf %add3A_223, %get3A_227 : vector<16xf32>
      %get3A_229 = arith.constant 8 : i32
      %get3A_230 = arith.index_cast %get3A_229 : i32 to index
      %get3A_231 = arith.index_cast %mul3A_189 : i32 to index
      %get3A_232 = tpu.vector_load %arg13[%get3A_230, %get3A_231] {strides = array<i32>} : memref<16x640xf32, #tpu.memory_space<vmem>>, vector<16xf32>,
      %add3A_233 = arith.addf %add3A_228, %get3A_232 : vector<16xf32>
      %get3A_234 = arith.constant 9 : i32
      %get3A_235 = arith.index_cast %get3A_234 : i32 to index
      %get3A_236 = arith.index_cast %mul3A_189 : i32 to index
      %get3A_237 = tpu.vector_load %arg13[%get3A_235, %get3A_236] {strides = array<i32>} : memref<16x640xf32, #tpu.memory_space<vmem>>, vector<16xf32>,
      %add3A_238 = arith.addf %add3A_233, %get3A_237 : vector<16xf32>
      %get3A_239 = arith.constant 10 : i32
      %get3A_240 = arith.index_cast %get3A_239 : i32 to index
      %get3A_241 = arith.index_cast %mul3A_189 : i32 to index
      %get3A_242 = tpu.vector_load %arg13[%get3A_240, %get3A_241] {strides = array<i32>} : memref<16x640xf32, #tpu.memory_space<vmem>>, vector<16xf32>,
      %add3A_243 = arith.addf %add3A_238, %get3A_242 : vector<16xf32>
      %get3A_244 = arith.constant 11 : i32
      %get3A_245 = arith.index_cast %get3A_244 : i32 to index
      %get3A_246 = arith.index_cast %mul3A_189 : i32 to index
      %get3A_247 = tpu.vector_load %arg13[%get3A_245, %get3A_246] {strides = array<i32>} : memref<16x640xf32, #tpu.memory_space<vmem>>, vector<16xf32>,
      %add3A_248 = arith.addf %add3A_243, %get3A_247 : vector<16xf32>
      %get3A_249 = arith.constant 12 : i32
      %get3A_250 = arith.index_cast %get3A_249 : i32 to index
      %get3A_251 = arith.index_cast %mul3A_189 : i32 to index
      %get3A_252 = tpu.vector_load %arg13[%get3A_250, %get3A_251] {strides = array<i32>} : memref<16x640xf32, #tpu.memory_space<vmem>>, vector<16xf32>,
      %add3A_253 = arith.addf %add3A_248, %get3A_252 : vector<16xf32>
      %get3A_254 = arith.constant 13 : i32
      %get3A_255 = arith.index_cast %get3A_254 : i32 to index
      %get3A_256 = arith.index_cast %mul3A_189 : i32 to index
      %get3A_257 = tpu.vector_load %arg13[%get3A_255, %get3A_256] {strides = array<i32>} : memref<16x640xf32, #tpu.memory_space<vmem>>, vector<16xf32>,
      %add3A_258 = arith.addf %add3A_253, %get3A_257 : vector<16xf32>
      %get3A_259 = arith.constant 14 : i32
      %get3A_260 = arith.index_cast %get3A_259 : i32 to index
      %get3A_261 = arith.index_cast %mul3A_189 : i32 to index
      %get3A_262 = tpu.vector_load %arg13[%get3A_260, %get3A_261] {strides = array<i32>} : memref<16x640xf32, #tpu.memory_space<vmem>>, vector<16xf32>,
      %add3A_263 = arith.addf %add3A_258, %get3A_262 : vector<16xf32>
      %get3A_264 = arith.constant 15 : i32
      %get3A_265 = arith.index_cast %get3A_264 : i32 to index
      %get3A_266 = arith.index_cast %mul3A_189 : i32 to index
      %get3A_267 = tpu.vector_load %arg13[%get3A_265, %get3A_266] {strides = array<i32>} : memref<16x640xf32, #tpu.memory_space<vmem>>, vector<16xf32>,
      %add3A_268 = arith.addf %add3A_263, %get3A_267 : vector<16xf32>
      %mul3A_269 = arith.constant 640 : i32
      %mul3A_270 = arith.muli %arg1, %mul3A_269 : i32
      %add3A_271 = arith.addi %mul3A_270, %mul3A_189 : i32
      %get3A_272 = arith.index_cast %add3A_271 : i32 to index
      %get3A_273 = tpu.vector_load %arg11[%get3A_272] {strides = array<i32>} : memref<10240xf32, #tpu.memory_space<vmem>>, vector<16xf32>,
      %get3A_274 = arith.index_cast %add3A_271 : i32 to index
      %get3A_275 = tpu.vector_load %arg10[%get3A_274] {strides = array<i32>} : memref<10240xf32, #tpu.memory_space<vmem>>, vector<16xf32>,
      %mul3A_276 = arith.mulf %get3A_273, %get3A_273 : vector<16xf32>
      %mul3A_277 = arith.mulf %mul3A_276, %get3A_275 : vector<16xf32>
      %add3A_278 = arith.addf %add3A_268, %mul3A_277 : vector<16xf32>
      %add3A_279 = arith.addf %add3A_278, %get3A_144 : vector<16xf32>
      %swap3A_280 = arith.index_cast %mul3A_189 : i32 to index
      %swap3A_281 = tpu.vector_load %arg14[%swap3A_280] {strides = array<i32>} : memref<640xf32, #tpu.memory_space<vmem>>, vector<16xf32>,
      tpu.vector_store %arg14[%swap3A_280], %add3A_279 {strides = array<i32>} : memref<640xf32, #tpu.memory_space<vmem>>, vector<16xf32>,
      %scan3A_282 = arith.constant 0 : i32
      scf.yield %scan3A_282 : i32
    }
    %scan3A_151 = arith.constant 40 : i32
    %mul3A_152 = arith.constant 640 : i32
    %mul3A_153 = arith.muli %arg1, %mul3A_152 : i32
    "tpu.region"() ({
      %run_scoped3A = tpu.sem_alloc : memref<!tpu.dma_semaphore, #tpu.memory_space<semaphore_mem>>
      %dma_start3A = tpu.memref_slice %arg17[%mul3A_153] : memref<10240xf32, #tpu.memory_space<vmem_shared>> -> memref<640xf32, #tpu.memory_space<vmem_shared>>
      %dma_start3A_186 = tpu.memref_slice %arg17[%mul3A_153] : memref<10240xf32, #tpu.memory_space<vmem_shared>> -> memref<640xf32, #tpu.memory_space<vmem_shared>>
      tpu.enqueue_dma source(%arg14 : memref<640xf32, #tpu.memory_space<vmem>>) target(%dma_start3A_186 : memref<640xf32, #tpu.memory_space<vmem_shared>>) target_semaphore(%run_scoped3A : memref<!tpu.dma_semaphore, #tpu.memory_space<semaphore_mem>>)
      %dma_wait3A = tpu.memref_slice %arg17[%mul3A_153] : memref<10240xf32, #tpu.memory_space<vmem_shared>> -> memref<640xf32, #tpu.memory_space<vmem_shared>>
      %dma_wait3A_187 = tpu.memref_slice %arg17[%mul3A_153] : memref<10240xf32, #tpu.memory_space<vmem_shared>> -> memref<640xf32, #tpu.memory_space<vmem_shared>>
      tpu.wait_dma2 semaphore(%run_scoped3A : memref<!tpu.dma_semaphore, #tpu.memory_space<semaphore_mem>>) src(%arg14 : memref<640xf32, #tpu.memory_space<vmem>>) dst(%dma_wait3A_187 : memref<640xf32, #tpu.memory_space<vmem_shared>>)
      tpu.yield
    }) : () -> ()
    %barrier3A_154 = arith.constant 0 : index
    tpu.barrier barrier_id(%barrier3A_154)
    "tpu.region"() ({
      %run_scoped3A = tpu.sem_alloc : memref<!tpu.dma_semaphore, #tpu.memory_space<semaphore_mem>>
      tpu.enqueue_dma source(%arg17 : memref<10240xf32, #tpu.memory_space<vmem_shared>>) target(%arg10 : memref<10240xf32, #tpu.memory_space<vmem>>) target_semaphore(%run_scoped3A : memref<!tpu.dma_semaphore, #tpu.memory_space<semaphore_mem>>)
      tpu.wait_dma2 semaphore(%run_scoped3A : memref<!tpu.dma_semaphore, #tpu.memory_space<semaphore_mem>>) src(%arg17 : memref<10240xf32, #tpu.memory_space<vmem_shared>>) dst(%arg10 : memref<10240xf32, #tpu.memory_space<vmem>>)
      tpu.yield
    }) : () -> ()
    %scan3A_155 = arith.constant 0 : i32
    %scan3A_156 = arith.constant 0 : i32
    %scan3A_157 = arith.constant 640 : i32
    %scan3A_158 = arith.addi %scan3A_156, %scan3A_157 : i32
    %scan3A_159 = arith.constant 1 : i32
    %scan3A_160 = scf.for %scan3A_186 = %scan3A_156 to %scan3A_158 step %scan3A_159 iter_args(%scan3A_187 = %scan3A_155) -> (i32)  : i32 {
      %mul3A_188 = arith.constant 16 : i32
      %mul3A_189 = arith.muli %scan3A_186, %mul3A_188 : i32
      %swap3A_190 = arith.index_cast %mul3A_189 : i32 to index
      %swap3A_191 = tpu.vector_load %arg12[%swap3A_190] {strides = array<i32>} : memref<10240xf32, #tpu.memory_space<vmem>>, vector<16xf32>,
      tpu.vector_store %arg12[%swap3A_190], %broadcast_in_dim3A_3 {strides = array<i32>} : memref<10240xf32, #tpu.memory_space<vmem>>, vector<16xf32>,
      %scan3A_192 = arith.constant 0 : i32
      scf.yield %scan3A_192 : i32
    }
    %scan3A_161 = arith.constant 640 : i32
    %scan3A_162 = arith.constant 0 : i32
    %scan3A_163 = arith.constant 0 : i32
    %scan3A_164 = arith.constant 1250 : i32
    %scan3A_165 = arith.addi %scan3A_163, %scan3A_164 : i32
    %scan3A_166 = arith.constant 1 : i32
    %scan3A_167 = scf.for %scan3A_186 = %scan3A_163 to %scan3A_165 step %scan3A_166 iter_args(%scan3A_187 = %scan3A_162) -> (i32)  : i32 {
      %mul3A_188 = arith.constant 16 : i32
      %mul3A_189 = arith.muli %scan3A_186, %mul3A_188 : i32
      %get3A_190 = arith.index_cast %mul3A_189 : i32 to index
      %get3A_191 = tpu.vector_load %arg7[%get3A_190] {strides = array<i32>} : memref<20000xi32, #tpu.memory_space<vmem>>, vector<16xi32>,
      %gather3A = tpu.vector_load_idx %arg10[%get3A_191] : memref<10240xf32, #tpu.memory_space<vmem>>[vector<16xi32>], vector<16xf32>,
      %get3A_192 = arith.index_cast %mul3A_189 : i32 to index
      %get3A_193 = tpu.vector_load %arg9[%get3A_192] {strides = array<i32>} : memref<20000xf32, #tpu.memory_space<vmem>>, vector<16xf32>,
      %get3A_194 = arith.index_cast %mul3A_189 : i32 to index
      %get3A_195 = tpu.vector_load %arg8[%get3A_194] {strides = array<i32>} : memref<20000xi32, #tpu.memory_space<vmem>>, vector<16xi32>,
      %mul3A_196 = arith.mulf %gather3A, %get3A_193 : vector<16xf32>
      tpu.vector_store_idx %arg12[%get3A_195], %mul3A_196 {add = true} : memref<10240xf32, #tpu.memory_space<vmem>>[vector<16xi32>], vector<16xf32>,
      %scan3A_197 = arith.constant 0 : i32
      scf.yield %scan3A_197 : i32
    }
    %scan3A_168 = arith.constant 1250 : i32
    "tpu.region"() ({
      %run_scoped3A = tpu.sem_alloc : memref<!tpu.dma_semaphore, #tpu.memory_space<semaphore_mem>>
      %dma_start3A = arith.constant 0 : i32
      %dma_start3A_186 = tpu.memref_slice %arg16[%arg1, %dma_start3A] : memref<16x10240xf32, #tpu.memory_space<vmem_shared>> -> memref<1x10240xf32, #tpu.memory_space<vmem_shared>>
      %dma_start3A_187 = tpu.memref_squeeze %dma_start3A_186 : memref<1x10240xf32, #tpu.memory_space<vmem_shared>> -> memref<10240xf32, #tpu.memory_space<vmem_shared>>
      %dma_start3A_188 = arith.constant 0 : i32
      %dma_start3A_189 = tpu.memref_slice %arg16[%arg1, %dma_start3A_188] : memref<16x10240xf32, #tpu.memory_space<vmem_shared>> -> memref<1x10240xf32, #tpu.memory_space<vmem_shared>>
      %dma_start3A_190 = tpu.memref_squeeze %dma_start3A_189 : memref<1x10240xf32, #tpu.memory_space<vmem_shared>> -> memref<10240xf32, #tpu.memory_space<vmem_shared>>
      tpu.enqueue_dma source(%arg12 : memref<10240xf32, #tpu.memory_space<vmem>>) target(%dma_start3A_190 : memref<10240xf32, #tpu.memory_space<vmem_shared>>) target_semaphore(%run_scoped3A : memref<!tpu.dma_semaphore, #tpu.memory_space<semaphore_mem>>)
      %dma_wait3A = arith.constant 0 : i32
      %dma_wait3A_191 = tpu.memref_slice %arg16[%arg1, %dma_wait3A] : memref<16x10240xf32, #tpu.memory_space<vmem_shared>> -> memref<1x10240xf32, #tpu.memory_space<vmem_shared>>
      %dma_wait3A_192 = tpu.memref_squeeze %dma_wait3A_191 : memref<1x10240xf32, #tpu.memory_space<vmem_shared>> -> memref<10240xf32, #tpu.memory_space<vmem_shared>>
      %dma_wait3A_193 = arith.constant 0 : i32
      %dma_wait3A_194 = tpu.memref_slice %arg16[%arg1, %dma_wait3A_193] : memref<16x10240xf32, #tpu.memory_space<vmem_shared>> -> memref<1x10240xf32, #tpu.memory_space<vmem_shared>>
      %dma_wait3A_195 = tpu.memref_squeeze %dma_wait3A_194 : memref<1x10240xf32, #tpu.memory_space<vmem_shared>> -> memref<10240xf32, #tpu.memory_space<vmem_shared>>
      tpu.wait_dma2 semaphore(%run_scoped3A : memref<!tpu.dma_semaphore, #tpu.memory_space<semaphore_mem>>) src(%arg12 : memref<10240xf32, #tpu.memory_space<vmem>>) dst(%dma_wait3A_195 : memref<10240xf32, #tpu.memory_space<vmem_shared>>)
      tpu.yield
    }) : () -> ()
    %barrier3A_169 = arith.constant 0 : index
    tpu.barrier barrier_id(%barrier3A_169)
    %mul3A_170 = arith.constant 640 : i32
    %mul3A_171 = arith.muli %arg1, %mul3A_170 : i32
    "tpu.region"() ({
      %run_scoped3A = tpu.sem_alloc : memref<!tpu.dma_semaphore, #tpu.memory_space<semaphore_mem>>
      %dma_start3A = arith.constant 0 : i32
      %dma_start3A_186 = tpu.memref_slice %arg16[%dma_start3A, %mul3A_171] : memref<16x10240xf32, #tpu.memory_space<vmem_shared>> -> memref<16x640xf32, #tpu.memory_space<vmem_shared>>
      %dma_start3A_187 = arith.constant 0 : i32
      %dma_start3A_188 = tpu.memref_slice %arg16[%dma_start3A_187, %mul3A_171] : memref<16x10240xf32, #tpu.memory_space<vmem_shared>> -> memref<16x640xf32, #tpu.memory_space<vmem_shared>>
      tpu.enqueue_dma source(%dma_start3A_188 : memref<16x640xf32, #tpu.memory_space<vmem_shared>>) target(%arg13 : memref<16x640xf32, #tpu.memory_space<vmem>>) target_semaphore(%run_scoped3A : memref<!tpu.dma_semaphore, #tpu.memory_space<semaphore_mem>>)
      %dma_wait3A = arith.constant 0 : i32
      %dma_wait3A_189 = tpu.memref_slice %arg16[%dma_wait3A, %mul3A_171] : memref<16x10240xf32, #tpu.memory_space<vmem_shared>> -> memref<16x640xf32, #tpu.memory_space<vmem_shared>>
      %dma_wait3A_190 = arith.constant 0 : i32
      %dma_wait3A_191 = tpu.memref_slice %arg16[%dma_wait3A_190, %mul3A_171] : memref<16x10240xf32, #tpu.memory_space<vmem_shared>> -> memref<16x640xf32, #tpu.memory_space<vmem_shared>>
      tpu.wait_dma2 semaphore(%run_scoped3A : memref<!tpu.dma_semaphore, #tpu.memory_space<semaphore_mem>>) src(%dma_wait3A_191 : memref<16x640xf32, #tpu.memory_space<vmem_shared>>) dst(%arg13 : memref<16x640xf32, #tpu.memory_space<vmem>>)
      tpu.yield
    }) : () -> ()
    %get3A_172 = arith.constant 48 : index
    %get3A_173 = tpu.vector_load %arg15[%get3A_172] {strides = array<i32>} : memref<64xf32, #tpu.memory_space<vmem>>, vector<16xf32>,
    %scan3A_174 = arith.constant 0 : i32
    %scan3A_175 = arith.constant 0 : i32
    %scan3A_176 = arith.constant 40 : i32
    %scan3A_177 = arith.addi %scan3A_175, %scan3A_176 : i32
    %scan3A_178 = arith.constant 1 : i32
    %scan3A_179 = scf.for %scan3A_186 = %scan3A_175 to %scan3A_177 step %scan3A_178 iter_args(%scan3A_187 = %scan3A_174) -> (i32)  : i32 {
      %mul3A_188 = arith.constant 16 : i32
      %mul3A_189 = arith.muli %scan3A_186, %mul3A_188 : i32
      %get3A_190 = arith.constant 0 : i32
      %get3A_191 = arith.index_cast %get3A_190 : i32 to index
      %get3A_192 = arith.index_cast %mul3A_189 : i32 to index
      %get3A_193 = tpu.vector_load %arg13[%get3A_191, %get3A_192] {strides = array<i32>} : memref<16x640xf32, #tpu.memory_space<vmem>>, vector<16xf32>,
      %get3A_194 = arith.constant 1 : i32
      %get3A_195 = arith.index_cast %get3A_194 : i32 to index
      %get3A_196 = arith.index_cast %mul3A_189 : i32 to index
      %get3A_197 = tpu.vector_load %arg13[%get3A_195, %get3A_196] {strides = array<i32>} : memref<16x640xf32, #tpu.memory_space<vmem>>, vector<16xf32>,
      %add3A_198 = arith.addf %get3A_193, %get3A_197 : vector<16xf32>
      %get3A_199 = arith.constant 2 : i32
      %get3A_200 = arith.index_cast %get3A_199 : i32 to index
      %get3A_201 = arith.index_cast %mul3A_189 : i32 to index
      %get3A_202 = tpu.vector_load %arg13[%get3A_200, %get3A_201] {strides = array<i32>} : memref<16x640xf32, #tpu.memory_space<vmem>>, vector<16xf32>,
      %add3A_203 = arith.addf %add3A_198, %get3A_202 : vector<16xf32>
      %get3A_204 = arith.constant 3 : i32
      %get3A_205 = arith.index_cast %get3A_204 : i32 to index
      %get3A_206 = arith.index_cast %mul3A_189 : i32 to index
      %get3A_207 = tpu.vector_load %arg13[%get3A_205, %get3A_206] {strides = array<i32>} : memref<16x640xf32, #tpu.memory_space<vmem>>, vector<16xf32>,
      %add3A_208 = arith.addf %add3A_203, %get3A_207 : vector<16xf32>
      %get3A_209 = arith.constant 4 : i32
      %get3A_210 = arith.index_cast %get3A_209 : i32 to index
      %get3A_211 = arith.index_cast %mul3A_189 : i32 to index
      %get3A_212 = tpu.vector_load %arg13[%get3A_210, %get3A_211] {strides = array<i32>} : memref<16x640xf32, #tpu.memory_space<vmem>>, vector<16xf32>,
      %add3A_213 = arith.addf %add3A_208, %get3A_212 : vector<16xf32>
      %get3A_214 = arith.constant 5 : i32
      %get3A_215 = arith.index_cast %get3A_214 : i32 to index
      %get3A_216 = arith.index_cast %mul3A_189 : i32 to index
      %get3A_217 = tpu.vector_load %arg13[%get3A_215, %get3A_216] {strides = array<i32>} : memref<16x640xf32, #tpu.memory_space<vmem>>, vector<16xf32>,
      %add3A_218 = arith.addf %add3A_213, %get3A_217 : vector<16xf32>
      %get3A_219 = arith.constant 6 : i32
      %get3A_220 = arith.index_cast %get3A_219 : i32 to index
      %get3A_221 = arith.index_cast %mul3A_189 : i32 to index
      %get3A_222 = tpu.vector_load %arg13[%get3A_220, %get3A_221] {strides = array<i32>} : memref<16x640xf32, #tpu.memory_space<vmem>>, vector<16xf32>,
      %add3A_223 = arith.addf %add3A_218, %get3A_222 : vector<16xf32>
      %get3A_224 = arith.constant 7 : i32
      %get3A_225 = arith.index_cast %get3A_224 : i32 to index
      %get3A_226 = arith.index_cast %mul3A_189 : i32 to index
      %get3A_227 = tpu.vector_load %arg13[%get3A_225, %get3A_226] {strides = array<i32>} : memref<16x640xf32, #tpu.memory_space<vmem>>, vector<16xf32>,
      %add3A_228 = arith.addf %add3A_223, %get3A_227 : vector<16xf32>
      %get3A_229 = arith.constant 8 : i32
      %get3A_230 = arith.index_cast %get3A_229 : i32 to index
      %get3A_231 = arith.index_cast %mul3A_189 : i32 to index
      %get3A_232 = tpu.vector_load %arg13[%get3A_230, %get3A_231] {strides = array<i32>} : memref<16x640xf32, #tpu.memory_space<vmem>>, vector<16xf32>,
      %add3A_233 = arith.addf %add3A_228, %get3A_232 : vector<16xf32>
      %get3A_234 = arith.constant 9 : i32
      %get3A_235 = arith.index_cast %get3A_234 : i32 to index
      %get3A_236 = arith.index_cast %mul3A_189 : i32 to index
      %get3A_237 = tpu.vector_load %arg13[%get3A_235, %get3A_236] {strides = array<i32>} : memref<16x640xf32, #tpu.memory_space<vmem>>, vector<16xf32>,
      %add3A_238 = arith.addf %add3A_233, %get3A_237 : vector<16xf32>
      %get3A_239 = arith.constant 10 : i32
      %get3A_240 = arith.index_cast %get3A_239 : i32 to index
      %get3A_241 = arith.index_cast %mul3A_189 : i32 to index
      %get3A_242 = tpu.vector_load %arg13[%get3A_240, %get3A_241] {strides = array<i32>} : memref<16x640xf32, #tpu.memory_space<vmem>>, vector<16xf32>,
      %add3A_243 = arith.addf %add3A_238, %get3A_242 : vector<16xf32>
      %get3A_244 = arith.constant 11 : i32
      %get3A_245 = arith.index_cast %get3A_244 : i32 to index
      %get3A_246 = arith.index_cast %mul3A_189 : i32 to index
      %get3A_247 = tpu.vector_load %arg13[%get3A_245, %get3A_246] {strides = array<i32>} : memref<16x640xf32, #tpu.memory_space<vmem>>, vector<16xf32>,
      %add3A_248 = arith.addf %add3A_243, %get3A_247 : vector<16xf32>
      %get3A_249 = arith.constant 12 : i32
      %get3A_250 = arith.index_cast %get3A_249 : i32 to index
      %get3A_251 = arith.index_cast %mul3A_189 : i32 to index
      %get3A_252 = tpu.vector_load %arg13[%get3A_250, %get3A_251] {strides = array<i32>} : memref<16x640xf32, #tpu.memory_space<vmem>>, vector<16xf32>,
      %add3A_253 = arith.addf %add3A_248, %get3A_252 : vector<16xf32>
      %get3A_254 = arith.constant 13 : i32
      %get3A_255 = arith.index_cast %get3A_254 : i32 to index
      %get3A_256 = arith.index_cast %mul3A_189 : i32 to index
      %get3A_257 = tpu.vector_load %arg13[%get3A_255, %get3A_256] {strides = array<i32>} : memref<16x640xf32, #tpu.memory_space<vmem>>, vector<16xf32>,
      %add3A_258 = arith.addf %add3A_253, %get3A_257 : vector<16xf32>
      %get3A_259 = arith.constant 14 : i32
      %get3A_260 = arith.index_cast %get3A_259 : i32 to index
      %get3A_261 = arith.index_cast %mul3A_189 : i32 to index
      %get3A_262 = tpu.vector_load %arg13[%get3A_260, %get3A_261] {strides = array<i32>} : memref<16x640xf32, #tpu.memory_space<vmem>>, vector<16xf32>,
      %add3A_263 = arith.addf %add3A_258, %get3A_262 : vector<16xf32>
      %get3A_264 = arith.constant 15 : i32
      %get3A_265 = arith.index_cast %get3A_264 : i32 to index
      %get3A_266 = arith.index_cast %mul3A_189 : i32 to index
      %get3A_267 = tpu.vector_load %arg13[%get3A_265, %get3A_266] {strides = array<i32>} : memref<16x640xf32, #tpu.memory_space<vmem>>, vector<16xf32>,
      %add3A_268 = arith.addf %add3A_263, %get3A_267 : vector<16xf32>
      %mul3A_269 = arith.constant 640 : i32
      %mul3A_270 = arith.muli %arg1, %mul3A_269 : i32
      %add3A_271 = arith.addi %mul3A_270, %mul3A_189 : i32
      %get3A_272 = arith.index_cast %add3A_271 : i32 to index
      %get3A_273 = tpu.vector_load %arg11[%get3A_272] {strides = array<i32>} : memref<10240xf32, #tpu.memory_space<vmem>>, vector<16xf32>,
      %get3A_274 = arith.index_cast %add3A_271 : i32 to index
      %get3A_275 = tpu.vector_load %arg10[%get3A_274] {strides = array<i32>} : memref<10240xf32, #tpu.memory_space<vmem>>, vector<16xf32>,
      %mul3A_276 = arith.mulf %get3A_273, %get3A_273 : vector<16xf32>
      %mul3A_277 = arith.mulf %mul3A_276, %get3A_275 : vector<16xf32>
      %add3A_278 = arith.addf %add3A_268, %mul3A_277 : vector<16xf32>
      %add3A_279 = arith.addf %add3A_278, %get3A_173 : vector<16xf32>
      %swap3A_280 = arith.index_cast %mul3A_189 : i32 to index
      %swap3A_281 = tpu.vector_load %arg14[%swap3A_280] {strides = array<i32>} : memref<640xf32, #tpu.memory_space<vmem>>, vector<16xf32>,
      tpu.vector_store %arg14[%swap3A_280], %add3A_279 {strides = array<i32>} : memref<640xf32, #tpu.memory_space<vmem>>, vector<16xf32>,
      %scan3A_282 = arith.constant 0 : i32
      scf.yield %scan3A_282 : i32
    }
    %scan3A_180 = arith.constant 40 : i32
    %mul3A_181 = arith.constant 640 : i32
    %mul3A_182 = arith.muli %arg1, %mul3A_181 : i32
    "tpu.region"() ({
      %run_scoped3A = tpu.sem_alloc : memref<!tpu.dma_semaphore, #tpu.memory_space<semaphore_mem>>
      %dma_start3A = tpu.memref_slice %arg17[%mul3A_182] : memref<10240xf32, #tpu.memory_space<vmem_shared>> -> memref<640xf32, #tpu.memory_space<vmem_shared>>
      %dma_start3A_186 = tpu.memref_slice %arg17[%mul3A_182] : memref<10240xf32, #tpu.memory_space<vmem_shared>> -> memref<640xf32, #tpu.memory_space<vmem_shared>>
      tpu.enqueue_dma source(%arg14 : memref<640xf32, #tpu.memory_space<vmem>>) target(%dma_start3A_186 : memref<640xf32, #tpu.memory_space<vmem_shared>>) target_semaphore(%run_scoped3A : memref<!tpu.dma_semaphore, #tpu.memory_space<semaphore_mem>>)
      %dma_wait3A = tpu.memref_slice %arg17[%mul3A_182] : memref<10240xf32, #tpu.memory_space<vmem_shared>> -> memref<640xf32, #tpu.memory_space<vmem_shared>>
      %dma_wait3A_187 = tpu.memref_slice %arg17[%mul3A_182] : memref<10240xf32, #tpu.memory_space<vmem_shared>> -> memref<640xf32, #tpu.memory_space<vmem_shared>>
      tpu.wait_dma2 semaphore(%run_scoped3A : memref<!tpu.dma_semaphore, #tpu.memory_space<semaphore_mem>>) src(%arg14 : memref<640xf32, #tpu.memory_space<vmem>>) dst(%dma_wait3A_187 : memref<640xf32, #tpu.memory_space<vmem_shared>>)
      tpu.yield
    }) : () -> ()
    %barrier3A_183 = arith.constant 0 : index
    tpu.barrier barrier_id(%barrier3A_183)
    %eq3A = arith.constant 0 : i32
    %eq3A_184 = arith.cmpi eq, %arg1, %eq3A : i32
    %convert_element_type3A = arith.extui %eq3A_184 : i1 to i32
    %cond3A = arith.constant 0 : i32
    %cond3A_185 = arith.cmpi ne, %convert_element_type3A, %cond3A : i32
    scf.if %cond3A_185 {
      "tpu.region"() ({
        %run_scoped3A = tpu.sem_alloc : memref<!tpu.dma_semaphore, #tpu.memory_space<semaphore_mem>>
        %dma_start3A = arith.constant 0 : i32
        %dma_start3A_188 = tpu.memref_slice %arg12[%dma_start3A] : memref<10240xf32, #tpu.memory_space<vmem>> -> memref<10000xf32, #tpu.memory_space<vmem>>
        %dma_start3A_189 = arith.constant 0 : i32
        %dma_start3A_190 = tpu.memref_slice %arg17[%dma_start3A_189] : memref<10240xf32, #tpu.memory_space<vmem_shared>> -> memref<10000xf32, #tpu.memory_space<vmem_shared>>
        %dma_start3A_191 = arith.constant 0 : i32
        %dma_start3A_192 = tpu.memref_slice %arg12[%dma_start3A_191] : memref<10240xf32, #tpu.memory_space<vmem>> -> memref<10000xf32, #tpu.memory_space<vmem>>
        %dma_start3A_193 = arith.constant 0 : i32
        %dma_start3A_194 = tpu.memref_slice %arg17[%dma_start3A_193] : memref<10240xf32, #tpu.memory_space<vmem_shared>> -> memref<10000xf32, #tpu.memory_space<vmem_shared>>
        tpu.enqueue_dma source(%dma_start3A_194 : memref<10000xf32, #tpu.memory_space<vmem_shared>>) target(%dma_start3A_192 : memref<10000xf32, #tpu.memory_space<vmem>>) target_semaphore(%run_scoped3A : memref<!tpu.dma_semaphore, #tpu.memory_space<semaphore_mem>>)
        %dma_wait3A = arith.constant 0 : i32
        %dma_wait3A_195 = tpu.memref_slice %arg12[%dma_wait3A] : memref<10240xf32, #tpu.memory_space<vmem>> -> memref<10000xf32, #tpu.memory_space<vmem>>
        %dma_wait3A_196 = arith.constant 0 : i32
        %dma_wait3A_197 = tpu.memref_slice %arg17[%dma_wait3A_196] : memref<10240xf32, #tpu.memory_space<vmem_shared>> -> memref<10000xf32, #tpu.memory_space<vmem_shared>>
        %dma_wait3A_198 = arith.constant 0 : i32
        %dma_wait3A_199 = tpu.memref_slice %arg12[%dma_wait3A_198] : memref<10240xf32, #tpu.memory_space<vmem>> -> memref<10000xf32, #tpu.memory_space<vmem>>
        %dma_wait3A_200 = arith.constant 0 : i32
        %dma_wait3A_201 = tpu.memref_slice %arg17[%dma_wait3A_200] : memref<10240xf32, #tpu.memory_space<vmem_shared>> -> memref<10000xf32, #tpu.memory_space<vmem_shared>>
        tpu.wait_dma2 semaphore(%run_scoped3A : memref<!tpu.dma_semaphore, #tpu.memory_space<semaphore_mem>>) src(%dma_wait3A_201 : memref<10000xf32, #tpu.memory_space<vmem_shared>>) dst(%dma_wait3A_199 : memref<10000xf32, #tpu.memory_space<vmem>>)
        tpu.yield
      }) : () -> ()
      %mul3A_186 = arith.constant 10000 : i32
      %mul3A_187 = arith.muli %arg0, %mul3A_186 : i32
      "tpu.region"() ({
        %run_scoped3A = tpu.sem_alloc : memref<!tpu.dma_semaphore, #tpu.memory_space<semaphore_mem>>
        %dma_start3A = arith.constant 0 : i32
        %dma_start3A_188 = tpu.memref_slice %arg12[%dma_start3A] : memref<10240xf32, #tpu.memory_space<vmem>> -> memref<10000xf32, #tpu.memory_space<vmem>>
        %dma_start3A_189 = tpu.memref_slice %arg6[%mul3A_187] : memref<20000xf32, #tpu.memory_space<hbm>> -> memref<10000xf32, #tpu.memory_space<hbm>>
        %dma_start3A_190 = tpu.memref_slice %arg6[%mul3A_187] : memref<20000xf32, #tpu.memory_space<hbm>> -> memref<10000xf32, #tpu.memory_space<hbm>>
        %dma_start3A_191 = arith.constant 0 : i32
        %dma_start3A_192 = tpu.memref_slice %arg12[%dma_start3A_191] : memref<10240xf32, #tpu.memory_space<vmem>> -> memref<10000xf32, #tpu.memory_space<vmem>>
        tpu.enqueue_dma source(%dma_start3A_192 : memref<10000xf32, #tpu.memory_space<vmem>>) target(%dma_start3A_190 : memref<10000xf32, #tpu.memory_space<hbm>>) target_semaphore(%run_scoped3A : memref<!tpu.dma_semaphore, #tpu.memory_space<semaphore_mem>>)
        %dma_wait3A = arith.constant 0 : i32
        %dma_wait3A_193 = tpu.memref_slice %arg12[%dma_wait3A] : memref<10240xf32, #tpu.memory_space<vmem>> -> memref<10000xf32, #tpu.memory_space<vmem>>
        %dma_wait3A_194 = tpu.memref_slice %arg6[%mul3A_187] : memref<20000xf32, #tpu.memory_space<hbm>> -> memref<10000xf32, #tpu.memory_space<hbm>>
        %dma_wait3A_195 = tpu.memref_slice %arg6[%mul3A_187] : memref<20000xf32, #tpu.memory_space<hbm>> -> memref<10000xf32, #tpu.memory_space<hbm>>
        %dma_wait3A_196 = arith.constant 0 : i32
        %dma_wait3A_197 = tpu.memref_slice %arg12[%dma_wait3A_196] : memref<10240xf32, #tpu.memory_space<vmem>> -> memref<10000xf32, #tpu.memory_space<vmem>>
        tpu.wait_dma2 semaphore(%run_scoped3A : memref<!tpu.dma_semaphore, #tpu.memory_space<semaphore_mem>>) src(%dma_wait3A_197 : memref<10000xf32, #tpu.memory_space<vmem>>) dst(%dma_wait3A_195 : memref<10000xf32, #tpu.memory_space<hbm>>)
        tpu.yield
      }) : () -> ()
    } else {
    }
    return
  }
}

module attributes {stable_mosaic.version = 14 : i64} {
  func.func @_proj_body(%arg0: memref<10000x128xf32, #tpu.memory_space<vmem>>, %arg1: memref<10000x128xf32, #tpu.memory_space<vmem>>, %arg2: memref<128x8xf32, #tpu.memory_space<vmem>>, %arg3: memref<8x4xf32, #tpu.memory_space<vmem>>, %arg4: memref<4x2xf32, #tpu.memory_space<vmem>>, %arg5: memref<2x1xf32, #tpu.memory_space<vmem>>, %arg6: memref<10000x1xf32, #tpu.memory_space<vmem>>, %arg7: memref<10000x1xf32, #tpu.memory_space<vmem>>) attributes {dimension_semantics = [], scalar_prefetch = 0 : i64, scratch_operands = 0 : i64, tpu.core_type = #tpu.core_type<tc>} {
    %get3A = arith.constant 0 : index
    %get3A_0 = arith.constant 0 : index
    %get3A_1 = vector.load %arg4[%get3A, %get3A_0] : memref<4x2xf32, #tpu.memory_space<vmem>>, vector<4x2xf32>
    %get3A_2 = arith.constant 0 : index
    %get3A_3 = arith.constant 0 : index
    %get3A_4 = vector.load %arg5[%get3A_2, %get3A_3] : memref<2x1xf32, #tpu.memory_space<vmem>>, vector<2x1xf32>
    %dot_general3A = arith.constant dense<0.000000e+00> : vector<4x1xf32>
    %dot_general3A_5 = tpu.matmul %get3A_1, %get3A_4, %dot_general3A {dimension_numbers = #tpu.dot_dimension_numbers<[1], [0], [0], [1], [0, 0, 1, 1], [], []>, precision = #tpu.contract_precision<fp32>, transpose_lhs_hint = false} : vector<4x2xf32>, vector<2x1xf32>, vector<4x1xf32> -> vector<4x1xf32>
    %get3A_6 = arith.constant 0 : index
    %get3A_7 = arith.constant 0 : index
    %get3A_8 = vector.load %arg3[%get3A_6, %get3A_7] : memref<8x4xf32, #tpu.memory_space<vmem>>, vector<8x4xf32>
    %dot_general3A_9 = arith.constant dense<0.000000e+00> : vector<8x1xf32>
    %dot_general3A_10 = tpu.matmul %get3A_8, %dot_general3A_5, %dot_general3A_9 {dimension_numbers = #tpu.dot_dimension_numbers<[1], [0], [0], [1], [0, 0, 1, 1], [], []>, precision = #tpu.contract_precision<fp32>, transpose_lhs_hint = false} : vector<8x4xf32>, vector<4x1xf32>, vector<8x1xf32> -> vector<8x1xf32>
    %get3A_11 = arith.constant 0 : index
    %get3A_12 = arith.constant 0 : index
    %get3A_13 = vector.load %arg2[%get3A_11, %get3A_12] : memref<128x8xf32, #tpu.memory_space<vmem>>, vector<128x8xf32>
    %dot_general3A_14 = arith.constant dense<0.000000e+00> : vector<128x1xf32>
    %dot_general3A_15 = tpu.matmul %get3A_13, %dot_general3A_10, %dot_general3A_14 {dimension_numbers = #tpu.dot_dimension_numbers<[1], [0], [0], [1], [0, 0, 1, 1], [], []>, precision = #tpu.contract_precision<fp32>, transpose_lhs_hint = false} : vector<128x8xf32>, vector<8x1xf32>, vector<128x1xf32> -> vector<128x1xf32>
    %get3A_16 = arith.constant 0 : index
    %get3A_17 = arith.constant 0 : index
    %get3A_18 = vector.load %arg0[%get3A_16, %get3A_17] : memref<10000x128xf32, #tpu.memory_space<vmem>>, vector<10000x128xf32>
    %dot_general3A_19 = arith.constant dense<0.000000e+00> : vector<10000x1xf32>
    %dot_general3A_20 = tpu.matmul %get3A_18, %dot_general3A_15, %dot_general3A_19 {dimension_numbers = #tpu.dot_dimension_numbers<[1], [0], [0], [1], [0, 0, 1, 1], [], []>, precision = #tpu.contract_precision<fp32>, transpose_lhs_hint = false} : vector<10000x128xf32>, vector<128x1xf32>, vector<10000x1xf32> -> vector<10000x1xf32>
    %swap3A = arith.constant 0 : index
    %swap3A_21 = arith.constant 0 : index
    %swap3A_22 = vector.load %arg6[%swap3A, %swap3A_21] : memref<10000x1xf32, #tpu.memory_space<vmem>>, vector<10000x1xf32>
    tpu.vector_store %arg6[%swap3A, %swap3A_21], %dot_general3A_20 {strides = array<i32>} : memref<10000x1xf32, #tpu.memory_space<vmem>>, vector<10000x1xf32>,
    %get3A_23 = arith.constant 0 : index
    %get3A_24 = arith.constant 0 : index
    %get3A_25 = vector.load %arg1[%get3A_23, %get3A_24] : memref<10000x128xf32, #tpu.memory_space<vmem>>, vector<10000x128xf32>
    %dot_general3A_26 = arith.constant dense<0.000000e+00> : vector<10000x1xf32>
    %dot_general3A_27 = tpu.matmul %get3A_25, %dot_general3A_15, %dot_general3A_26 {dimension_numbers = #tpu.dot_dimension_numbers<[1], [0], [0], [1], [0, 0, 1, 1], [], []>, precision = #tpu.contract_precision<fp32>, transpose_lhs_hint = false} : vector<10000x128xf32>, vector<128x1xf32>, vector<10000x1xf32> -> vector<10000x1xf32>
    %swap3A_28 = arith.constant 0 : index
    %swap3A_29 = arith.constant 0 : index
    %swap3A_30 = vector.load %arg7[%swap3A_28, %swap3A_29] : memref<10000x1xf32, #tpu.memory_space<vmem>>, vector<10000x1xf32>
    tpu.vector_store %arg7[%swap3A_28, %swap3A_29], %dot_general3A_27 {strides = array<i32>} : memref<10000x1xf32, #tpu.memory_space<vmem>>, vector<10000x1xf32>,
    return
  }
}

module attributes {stable_mosaic.version = 14 : i64} {
  func.func @_ri_body(%arg0: i32, %arg1: memref<200x20000xf32, #tpu.memory_space<vmem>>, %arg2: memref<20000x1xf32, #tpu.memory_space<vmem>>, %arg3: memref<200x1xf32, #tpu.memory_space<vmem>>) attributes {dimension_semantics = [#tpu.dimension_semantics<arbitrary>], iteration_bounds = array<i64: 50>, scalar_prefetch = 0 : i64, scratch_operands = 0 : i64, tpu.core_type = #tpu.core_type<tc>, window_params = [{transform_indices = @transform_0, window_bounds = array<i64: 200, 20000>}, {pipeline_mode = #tpu.pipeline_mode<synchronous>, transform_indices = @transform_1, window_bounds = array<i64: 20000, 1>}, {transform_indices = @transform_2, window_bounds = array<i64: 200, 1>}]} {
    %get3A = arith.constant 0 : index
    %get3A_0 = arith.constant 0 : index
    %get3A_1 = vector.load %arg1[%get3A, %get3A_0] : memref<200x20000xf32, #tpu.memory_space<vmem>>, vector<200x20000xf32>
    %get3A_2 = arith.constant 0 : index
    %get3A_3 = arith.constant 0 : index
    %get3A_4 = vector.load %arg2[%get3A_2, %get3A_3] : memref<20000x1xf32, #tpu.memory_space<vmem>>, vector<20000x1xf32>
    %dot_general3A = arith.constant dense<0.000000e+00> : vector<200x1xf32>
    %dot_general3A_5 = tpu.matmul %get3A_1, %get3A_4, %dot_general3A {dimension_numbers = #tpu.dot_dimension_numbers<[1], [0], [0], [1], [0, 0, 1, 1], [], []>, transpose_lhs_hint = false} : vector<200x20000xf32>, vector<20000x1xf32>, vector<200x1xf32> -> vector<200x1xf32>
    %swap3A = arith.constant 0 : index
    %swap3A_6 = arith.constant 0 : index
    %swap3A_7 = vector.load %arg3[%swap3A, %swap3A_6] : memref<200x1xf32, #tpu.memory_space<vmem>>, vector<200x1xf32>
    tpu.vector_store %arg3[%swap3A, %swap3A_6], %dot_general3A_5 {strides = array<i32>} : memref<200x1xf32, #tpu.memory_space<vmem>>, vector<200x1xf32>,
    return
  }
  func.func @transform_0(%arg0: i32) -> (i32, i32) {
    %c0_i32 = arith.constant 0 : i32
    %c0_i32_0 = arith.constant 0 : i32
    return %arg0, %c0_i32 : i32, i32
  }
  func.func @transform_1(%arg0: i32) -> (i32, i32) {
    %c0_i32 = arith.constant 0 : i32
    %c0_i32_0 = arith.constant 0 : i32
    %c0_i32_1 = arith.constant 0 : i32
    return %c0_i32, %c0_i32_0 : i32, i32
  }
  func.func @transform_2(%arg0: i32) -> (i32, i32) {
    %c0_i32 = arith.constant 0 : i32
    %c0_i32_0 = arith.constant 0 : i32
    return %arg0, %c0_i32 : i32, i32
  }
}

module attributes {stable_mosaic.version = 14 : i64} {
  func.func @_tail_body(%arg0: memref<1x10000xf32, #tpu.memory_space<vmem>>, %arg1: memref<1x10000xf32, #tpu.memory_space<vmem>>, %arg2: memref<10000x9xf32, #tpu.memory_space<vmem>>, %arg3: memref<1x16xf32, #tpu.memory_space<vmem>>, %arg4: memref<16x9xf32, #tpu.memory_space<vmem>>, %arg5: memref<1x9xf32, #tpu.memory_space<vmem>>, %arg6: memref<1x9xf32, #tpu.memory_space<vmem>>) attributes {dimension_semantics = [], scalar_prefetch = 0 : i64, scratch_operands = 0 : i64, tpu.core_type = #tpu.core_type<tc>} {
    %get3A = arith.constant 0 : index
    %get3A_0 = arith.constant 0 : index
    %get3A_1 = vector.load %arg0[%get3A, %get3A_0] : memref<1x10000xf32, #tpu.memory_space<vmem>>, vector<1x10000xf32>
    %get3A_2 = arith.constant 0 : index
    %get3A_3 = arith.constant 0 : index
    %get3A_4 = vector.load %arg1[%get3A_2, %get3A_3] : memref<1x10000xf32, #tpu.memory_space<vmem>>, vector<1x10000xf32>
    %add3A = arith.addf %get3A_1, %get3A_4 : vector<1x10000xf32>
    %get3A_5 = arith.constant 0 : index
    %get3A_6 = arith.constant 0 : index
    %get3A_7 = vector.load %arg2[%get3A_5, %get3A_6] : memref<10000x9xf32, #tpu.memory_space<vmem>>, vector<10000x9xf32>
    %dot_general3A = arith.constant dense<0.000000e+00> : vector<1x9xf32>
    %dot_general3A_8 = tpu.matmul %add3A, %get3A_7, %dot_general3A {dimension_numbers = #tpu.dot_dimension_numbers<[1], [0], [0], [1], [0, 0, 1, 1], [], []>, precision = #tpu.contract_precision<fp32>, transpose_lhs_hint = false} : vector<1x10000xf32>, vector<10000x9xf32>, vector<1x9xf32> -> vector<1x9xf32>
    %get3A_9 = arith.constant 0 : index
    %get3A_10 = arith.constant 0 : index
    %get3A_11 = vector.load %arg3[%get3A_9, %get3A_10] : memref<1x16xf32, #tpu.memory_space<vmem>>, vector<1x16xf32>
    %get3A_12 = arith.constant 0 : index
    %get3A_13 = arith.constant 0 : index
    %get3A_14 = vector.load %arg4[%get3A_12, %get3A_13] : memref<16x9xf32, #tpu.memory_space<vmem>>, vector<16x9xf32>
    %dot_general3A_15 = arith.constant dense<0.000000e+00> : vector<1x9xf32>
    %dot_general3A_16 = tpu.matmul %get3A_11, %get3A_14, %dot_general3A_15 {dimension_numbers = #tpu.dot_dimension_numbers<[1], [0], [0], [1], [0, 0, 1, 1], [], []>, precision = #tpu.contract_precision<fp32>, transpose_lhs_hint = false} : vector<1x16xf32>, vector<16x9xf32>, vector<1x9xf32> -> vector<1x9xf32>
    %add3A_17 = arith.addf %dot_general3A_8, %dot_general3A_16 : vector<1x9xf32>
    %get3A_18 = arith.constant 0 : index
    %get3A_19 = arith.constant 0 : index
    %get3A_20 = vector.load %arg5[%get3A_18, %get3A_19] : memref<1x9xf32, #tpu.memory_space<vmem>>, vector<1x9xf32>
    %add3A_21 = arith.addf %add3A_17, %get3A_20 : vector<1x9xf32>
    %swap3A = arith.constant 0 : index
    %swap3A_22 = arith.constant 0 : index
    %swap3A_23 = vector.load %arg6[%swap3A, %swap3A_22] : memref<1x9xf32, #tpu.memory_space<vmem>>, vector<1x9xf32>
    tpu.vector_store %arg6[%swap3A, %swap3A_22], %add3A_21 {strides = array<i32>} : memref<1x9xf32, #tpu.memory_space<vmem>>, vector<1x9xf32>,
    return
  }
}

</mosaic_0001>

<sc_bundles>
// kernel: kernel.6.cloned.1.call-start
scs
__scs_entry_jumppad:
0x0: {  	(pc) =	sbr.rel $0x88, $3  }
0x1: {  	(tag) =	ssettag $0x0;
	lr =	simm.s32 $0x1  }
0x2: {  	[smem:$0x3F90] =	sst lr;
	_ =	strace $0xD0000000  }
0x3: {  	_ = 	snop  }
0x4: {  	_ = 	snop  }
0x5: {  	_ = 	snop  }
0x6: {  	_ = 	snop  }
0x7: {  	_ = 	snop  }
__scs_overlays_trampoline_lowered:
0x8: {  	[smem:$0x3F9F] =	sst s0  }
0x9: {  	[smem:$0x3FA0] =	sst s1  }
0xa: {  	[smem:$0x3FA1] =	sst s2  }
0xb: {  	[smem:$0x3FA2] =	sst s3  }
0xc: {  	[smem:$0x3FA3] =	sst s4  }
0xd: {  	[smem:$0x3FA4] =	sst s5  }
0xe: {  	[smem:$0x3FA5] =	sst s6  }
0xf: {  	[smem:$0x3FA6] =	sst s7  }
0x10: {  	[smem:$0x3FA7] =	sst s8  }
0x11: {  	[smem:$0x3FA8] =	sst s9;
	s0 =	simm.s32 @!p0 $0x0  }
0x12: {  	s1 =	sld [smem:$0x3F8E];
	s0 =	simm.s32 @p0 $0x1  }
0x13: {  	[smem:$0x3FA9] =	sst s0;
	s0 =	simm.s32 @!p1 $0x0  }
0x14: {  	s2 =	sld [smem:$0x3F8D];
	s0 =	simm.s32 @p1 $0x1  }
0x15: {  	[smem:$0x3FAA] =	sst s0;
	s0 =	simm.s32 @!p2 $0x0  }
0x16: {  	s3 =	sld [smem:$0x3FDB];
	s0 =	simm.s32 @p2 $0x1  }
0x17: {  	s4 =	simm.s32 $0x1BF5;
	[smem:$0x3FAC] =	sst s0  }
0x18: {  	s0 =	sld [smem:$0x3F8F];
	_ =	swait.ge [sflag:s4], $0x0  }
0x19: {  	s7 =	sld [smem:$0x3F90]  }
0x1a: {  	s8 =	sadd.s32 $0xFFFFE003, lr  }
0x1b: {  	s9 =	sadd.s32 $0xFFFFFEF7, lr;
	s5 =	simm.s32 $0xFFFFFFFF;
	p2 =	slt.u32 s8, $0xFFFFF086  }
0x1c: {  	p1 =	slt.u32 s9, $0xF7A;
	s5 =	simm.s32 @!p2 $0x0  }
0x1d: {  	s5 =	simm.s32 @p1 $0x1;
	p0 =	seq.s32 s7, s2  }
0x1e: {  	s7 =	smul.u32 @!p0 $0xF7A, s2;
	p2 =	seq.s32 @!p0 s5, $0x0  }
0x1f: {  	s9 =	smul.u32 $0xF7A, s1;
	s8 =	simm.s32 @!p0 $0x1BF5;
	p2 =	por !p2, p0  }
0x20: {  	[sflag:s8] =	ssyncset.s32 @!p0 $0xFFFFF086;
	s6 =	sadd.s32 @!p0 s3, s7;
	s7 =	simm.s32 @!p0 $0x108  }
0x21: {  	s3 =	sadd.s32 s3, s9;
	s6 =	sadd.s32 @!p0 $0x88, s6;
	s7 =	simm.s32 @p2 $0x1082  }
0x22: {  	[simem:s7], [sflag:s8] =	dma.local @!p0 [hbm:s6], $0xF7A  }
0x23: {  	s9 =	sor.u32 $0xD0000000, s2;
	s6 =	simm.s32 $0x108;
	_ =	swait.ge @!p0 [sflag:s8], $0x0  }
0x24: {  	s3 =	sadd.s32 $0x88, s3;
	s6 =	simm.s32 @!p1 $0x1082;
	[sflag:s4] =	ssyncset.s32 $0xFFFFF086  }
0x25: {  	[simem:s6], [sflag:s4] =	dma.local [hbm:s3], $0xF7A  }
0x26: {  	[smem:$0x3F90] =	sst s1;
	(tag) =	ssettag s2;
	_ =	strace s9  }
0x27: {  	s1 =	sld [smem:$0x3FA0]  }
0x28: {  	s2 =	sld [smem:$0x3FA1]  }
0x29: {  	s4 =	sld [smem:$0x3FA3]  }
0x2a: {  	p0 =	seq.s32 s5, $0x0;
	s5 =	sld [smem:$0x3FA4]  }
0x2b: {  	s6 =	sld [smem:$0x3FA5]  }
0x2c: {  	s7 =	sld [smem:$0x3FA6]  }
0x2d: {  	s3 =	simm.s32 $0x108;
	s8 =	sld [smem:$0x3FA7]  }
0x2e: {  	s3 =	simm.s32 @!p0 $0x1082;
	s9 =	sld [smem:$0x3FA8]  }
0x2f: {  	lr =	sadd.s32 s0, s3;
	s0 =	sld [smem:$0x3F9F]  }
0x30: {  	s3 =	sld [smem:$0x3FA2]  }
0x31: {  	[smem:$0x3FAB] =	sst s10  }
0x32: {  	s10 =	sld [smem:$0x3FA9];
	_ =	sdelay $0x3  }
0x33: {  	p0 =	seq.s32 s10, $0x1;
	s10 =	sld [smem:$0x3FAB];
	_ =	sdelay $0x3  }
0x34: {  	[smem:$0x3FAB] =	sst s10  }
0x35: {  	s10 =	sld [smem:$0x3FAA];
	_ =	sdelay $0x3  }
0x36: {  	p1 =	seq.s32 s10, $0x1;
	s10 =	sld [smem:$0x3FAB];
	_ =	sdelay $0x3  }
0x37: {  	[smem:$0x3FAB] =	sst s10  }
0x38: {  	s10 =	sld [smem:$0x3FAC]  }
0x39: {  	_ = 	snop;
	(pc) =	sbr.ind lr, $3  }
0x3a: {  	_ = 	snop  }
0x3b: {  	_ = 	snop  }
0x3c: {  	p2 =	seq.s32 s10, $0x1;
	s10 =	sld [smem:$0x3FAB]  }
0x3d: {  	_ =	shalt  }
0x3e: {  	_ =	shalt  }
0x3f: {  	_ =	shalt  }
0x40: {  	_ =	shalt  }
0x41: {  	_ =	shalt  }
0x42: {  	_ =	shalt  }
0x43: {  	_ =	shalt  }
0x44: {  	_ =	shalt  }
0x45: {  	_ =	shalt  }
0x46: {  	_ =	shalt  }
0x47: {  	_ =	shalt  }
0x48: {  	_ =	shalt  }
0x49: {  	_ =	shalt  }
0x4a: {  	_ =	shalt  }
0x4b: {  	_ =	shalt  }
0x4c: {  	_ =	shalt  }
0x4d: {  	_ =	shalt  }
0x4e: {  	_ =	shalt  }
0x4f: {  	_ =	shalt  }
0x50: {  	_ =	shalt  }
0x51: {  	_ =	shalt  }
0x52: {  	_ =	shalt  }
0x53: {  	_ =	shalt  }
0x54: {  	_ =	shalt  }
0x55: {  	_ =	shalt  }
0x56: {  	_ =	shalt  }
0x57: {  	_ =	shalt  }
0x58: {  	_ =	shalt  }
0x59: {  	_ =	shalt  }
0x5a: {  	_ =	shalt  }
0x5b: {  	_ =	shalt  }
0x5c: {  	_ =	shalt  }
0x5d: {  	_ =	shalt  }
0x5e: {  	_ =	shalt  }
0x5f: {  	_ =	shalt  }
0x60: {  	_ =	shalt  }
0x61: {  	_ =	shalt  }
0x62: {  	_ =	shalt  }
0x63: {  	_ =	shalt  }
0x64: {  	_ =	shalt  }
0x65: {  	_ =	shalt  }
0x66: {  	_ =	shalt  }
0x67: {  	_ =	shalt  }
0x68: {  	_ =	shalt  }
0x69: {  	_ =	shalt  }
0x6a: {  	_ =	shalt  }
0x6b: {  	_ =	shalt  }
0x6c: {  	_ =	shalt  }
0x6d: {  	_ =	shalt  }
0x6e: {  	_ =	shalt  }
0x6f: {  	_ =	shalt  }
0x70: {  	_ =	shalt  }
0x71: {  	_ =	shalt  }
0x72: {  	_ =	shalt  }
0x73: {  	_ =	shalt  }
0x74: {  	_ =	shalt  }
0x75: {  	_ =	shalt  }
0x76: {  	_ =	shalt  }
0x77: {  	_ =	shalt  }
0x78: {  	_ =	shalt  }
0x79: {  	_ =	shalt  }
0x7a: {  	_ =	shalt  }
0x7b: {  	_ =	shalt  }
0x7c: {  	_ =	shalt  }
0x7d: {  	_ =	shalt  }
0x7e: {  	_ =	shalt  }
0x7f: {  	_ =	shalt  }
0x80: {  	_ =	shalt  }
0x81: {  	_ =	shalt  }
0x82: {  	_ =	shalt  }
0x83: {  	_ =	shalt  }
0x84: {  	_ =	shalt  }
0x85: {  	_ =	shalt  }
0x86: {  	_ =	shalt  }
0x87: {  	_ =	shalt  }
.Lfunc_end0:
.L_simem_size_0:
called_computation_lowered:
.L_overlay_start_0:
0x88: {  	s2 =	sld [smem:$0x3FD9]  }
0x89: {  	s3 =	sld [smem:$0x3FFE];
	_ =	sdelay $0x1  }
0x8a: {  	s1 =	srdreg.scid  }
0x8b: {  	s0 =	sand.u32 $0x1, s1  }
0x8c: {  	s17 =	sshll.u32 s0, $0xA;
	s2 =	sadd.s32 s3, s2  }
0x8d: {  	s2 =	sadd.s32 s2, s17  }
0x8e: {  	[smem:$0x3FB7] =	sst s2  }
0x8f: {  	_ = 	snop  }
0x90: {  	s2 =	sld [smem:$0x3FD0];
	(tm) =	ssettm $0x1  }
0x91: {  	s18 =	sld [smem:$0x3FFB];
	_ =	sdelay $0x3  }
0x92: {  	_ =	strace s18  }
0x93: {  	s3 =	sld [smem:$0x3FFC];
	_ =	sdelay $0x3  }
0x94: {  	_ =	strace s3  }
0x95: {  	s3 =	sld [smem:$0x3FFD];
	_ =	sdelay $0x3  }
0x96: {  	_ =	strace s3  }
0x97: {  	_ =	strace $0x8FFFFFFF  }
0x98: {  	s19 =	sld [smem:$0x3FDB];
	_ =	sdelay $0x1  }
0x99: {  	s4 =	simm.s32 $_scs_section_size  }
0x9a: {  	s5 =	simm.s32 $_size__tile_overlayer_lowered;
	s6 =	simm.s32 $_tile_overlayer_lowered  }
0x9b: {  	s22 =	simm.s32 $0x1BFF;
	s21 =	sshll.u32 s6, $0x1;
	s3 =	sadd.s32 s4, s19  }
0x9c: {  	s7 =	simm.s32 $0x0;
	s20 =	sshll.u32 s5, $0x1;
	s5 =	sadd.s32 s21, s3  }
0x9d: {  	[timem:s7], [sflag:s22] =	dma.local [hbm:s5], s20  }
0x9e: {  	_ =	swait.ge [sflag:s22], s20  }
0x9f: {  	s4 =	ssub.s32 $0x0, s20;
	[sflag:s22] =	ssyncset.done $0x0  }
0xa0: {  	[sflag:s22] =	ssyncadd.s32 s4;
	_ =	sdelay $0x1  }
0xa1: {  	s23 =	simm.s32 $0x1B8B  }
0xa2: {  	_ =	swait.ge [sflag:s23], $0x1  }
0xa3: {  	[sflag:s23] =	ssyncset.done $0x0  }
0xa4: {  	s25 =	simm.s32 $0x1B8E;
	s24 =	sld [smem:$0x3FFE];
	[sflag:s23] =	ssyncadd.s32 $0xFFFFFFFF  }
0xa5: {  	s26 =	simm.s32 $execute0_lowered;
	[smem:$0x3FD2] =	sst s25  }
0xa6: {  	s5 =	sshll.u32 s26, $0x1;
	_ =	strace $0x80000046;
	[dreg:$0x1] =	wrdreg $0xFFFFFFFF  }
0xa7: {  	s28 =	simm.s32 $_size_execute0_lowered;
	s3 =	sadd.s32 s3, s5;
	[dreg:$0x0] =	wrdreg $0x0  }
0xa8: {  	s5 =	sshll.u32 s28, $0x1;
	[dreg:$0x2] =	wrdreg s3  }
0xa9: {  	[dreg:$0x3] =	wrdreg s5  }
0xaa: {  	[dreg:$0x4] =	wrdreg $0xC0  }
0xab: {  	_ =	task [dreg:s7], $0x5FFFF  }
0xac: {  	[dreg:$0x1] =	wrdreg $0xFFFFFFFF  }
0xad: {  	[dreg:$0x0] =	wrdreg $0x60  }
0xae: {  	[dreg:$0x2] =	wrdreg s24  }
0xaf: {  	[dreg:$0x3] =	wrdreg s2  }
0xb0: {  	[dreg:$0x4] =	wrdreg $0x18E800  }
0xb1: {  	[dreg:$0x5] =	wrdreg $0x1B6800  }
0xb2: {  	[dreg:$0x6] =	wrdreg $0x9  }
0xb3: {  	_ =	task.clear_ibuf [dreg:s7], $0x7FFFF;
	_ =	strace $0x90000046  }
0xb4: {  	s29 =	simm.s32 $0x9;
	_ =	strace $0x80000048  }
0xb5: {  	_ =	swait.ge [sflag:s29], $0x1  }
0xb6: {  	[sflag:s29] =	ssyncadd.s32 $0xFFFFFFFF  }
0xb7: {  	_ =	strace $0x90000048  }
0xb8: {  	_ =	sfence  }
0xb9: {  	s30 =	sld [smem:$0x0];
	_ =	sdelay $0x2  }
0xba: {  	s31 =	sshll.u32 s1, $0xD;
	s1 =	sshrl.u32 s1, $0x2  }
0xbb: {  	s3 =	sand.u32 $0x4000, s31;
	s1 =	sadd.s32 s1, s30  }
0xbc: {  	s0 =	sor.u32 s3, s0;
	s1 =	sshll.u32 s1, $0x11  }
0xbd: {  	s0 =	sor.u32 s1, s0  }
0xbe: {  	s0 =	sadd.s32 $0x8F2B, s0  }
0xbf: {  	[sflag:s0] =	ssyncadd.remote.s32 $0x1  }
0xc0: {  	_ =	sfence.sel $0xFFFF  }
0xc1: {  	[dreg:$0x0] =	wrdreg $0xFFFFFFFF;
	(pc) =	sbr.abs _section_cstart, $3  }
0xc2: {  	[dreg:$0x1] =	wrdreg $0xFFFFFFFF  }
0xc3: {  	_ =	task.clear_ibuf [dreg:s7], $0x2FFFF;
	_ =	strace $0x9FFFFFFF  }
0xc4: {  	(tm) =	ssettm $0x7FFFFFFF  }
0xc5: {  	_ =	shalt  }
tec
execute0_lowered:
.L_overlay_start_1:
0x0: {  	(tag) =	ssettag $0x1  }
0x1: {  	s1 =	rddreg [dreg:$0x0];
	s2 =	srdreg.scid  }
0x2: {  	s9 =	rddreg [dreg:$0x2];
	s25 =	stileid.u32;
	s3 =	simm.s32 $0x0  }
0x3: {  	s13 =	simm.s32 $0x1;
	s14 =	simm.s32 $0x4E80;
	s15 =	simm.s32 $0xEB80  }
0x4: {  	s16 =	simm.s32 $0x18E00;
	s17 =	simm.s32 $0x13B80;
	s18 =	simm.s32 $0x80  }
0x5: {  	s19 =	simm.s32 $0x400;
	s20 =	simm.s32 $0x1400;
	s21 =	simm.s32 $0x14000  }
0x6: {  	s22 =	simm.s32 $0x16380;
	s23 =	simm.s32 $0x18B80;
	s24 =	simm.s32 $0x11380  }
0x7: {  	s4 =	sand.u32 $0x1, s2;
	s2 =	rddreg [dreg:$0x3];
	s6 =	smul.u32 $0x4E20, s25  }
0x8: {  	[smem:$0x7FF] =	sst s3;
	s7 =	sshrl.u32 s25, $0x3;
	s10 =	smul.u32 $0x5000, s25  }
0x9: {  	s31 =	sshll.u32 s25, $0x7;
	p0 =	sne.s32 s25, $0x0;
	s5 =	smul.u32 $0x4E200, s4  }
0xa: {  	_ =	strace $0x80000047;
	s29 =	smul.u32 $0x4E2, s4;
	s4 =	ssub.s32 $0x2, s4  }
0xb: {  	s7 =	smul.u32 $0x50000, s7;
	s8 =	sand.u32 $0x380, s31;
	s30 =	sshrl.u32 s4, $0x1  }
0xc: {  	s10 =	sshrl.u32 s10, $0x2;
	s5 =	sadd.s32 s6, s5;
	s12 =	ssub.s32 s4, s30  }
0xd: {  	s7 =	sshrl.u32 s7, $0x2;
	s6 =	smul.u32 $0x280, s25;
	s25 =	simm.s32 $0x0  }
0xe: {  	s5 =	sshrl.u32 s5, $0x3;
	s11 =	sadd.s32 s7, s9;
	s9 =	sadd.s32 s10, s9  }
0xf: {  	s12 =	smax.u32 s12, $0x1;
	s5 =	sadd.s32 s5, s1;
	s1 =	sadd.s32 s29, s1  }
0x10: {  	s8 =	sadd.s32 s8, s11;
	s10 =	sadd.s32 s6, s2;
	s4 =	sadd.s32 $0x1000, s5  }
0x11: {  	v0 =	vimm.f32 $0.0e+00;
	v1 =	vimm.f32 $1.000000000e+00;
	s5 =	sadd.s32 $0x14A00, s5;
	s7 =	sadd.s32 $0x600, s1;
	s11 =	sadd.s32 $0x28400, s1  }
.LBB2_1:
0x12: {  	[tilespmem:s3], [sflag:$0x1] =	stream.linear.gather [hbm4b:s4+s3], $0x4E20, $0x38;
	[tilespmem:$0x1B900] =	vst v63  }
0x13: {  	_ =	swait.ge [sflag:s13], $0x4E20  }
0x14: {  	[sflag:s13] =	ssyncset.done $0x0  }
0x15: {  	[sflag:s13] =	ssyncadd.s32 $0xFFFFB1E0  }
0x16: {  	[tilespmem:s14], [sflag:$0x1] =	stream.linear.gather [hbm4b:s5+s3], $0x4E20, $0x38;
	[tilespmem:$0x1B900] =	vst v63  }
0x17: {  	_ =	swait.ge [sflag:s13], $0x4E20  }
0x18: {  	[sflag:s13] =	ssyncset.done $0x0  }
0x19: {  	[sflag:s13] =	ssyncadd.s32 $0xFFFFB1E0  }
0x1a: {  	[tilespmem:s15], [sflag:$0x1] =	stream.linear.gather [hbm4b:s7+s3], $0x2710, $0x38;
	[tilespmem:$0x1B900] =	vst v63  }
0x1b: {  	_ =	swait.ge [sflag:s13], $0x2710  }
0x1c: {  	[sflag:s13] =	ssyncset.done $0x0  }
0x1d: {  	[sflag:s13] =	ssyncadd.s32 $0xFFFFD8F0  }
0x1e: {  	s0 =	rddreg [dreg:$0x1]  }
0x1f: {  	[tilespmem:s16], [sflag:$0x1] =	stream.linear.gather [hbm4b:s0+s3], $0x80, $0x38;
	[tilespmem:$0x1B900] =	vst v63  }
0x20: {  	_ =	swait.ge [sflag:s13], $0x80  }
0x21: {  	[sflag:s13] =	ssyncset.done $0x0  }
0x22: {  	[sflag:s13] =	ssyncadd.s32 $0xFFFFFF80  }
0x23: {  	[tilespmem:$0x11290] =	vst v0  }
0x24: {  	[tilespmem:$0x112A0] =	vst v0  }
0x25: {  	[tilespmem:$0x112B0] =	vst v0  }
0x26: {  	[tilespmem:$0x112C0] =	vst v0  }
0x27: {  	[tilespmem:$0x112D0] =	vst v0  }
0x28: {  	[tilespmem:$0x112E0] =	vst v0  }
0x29: {  	[tilespmem:$0x112F0] =	vst v0  }
0x2a: {  	[tilespmem:$0x11300] =	vst v0  }
0x2b: {  	[tilespmem:$0x11310] =	vst v0  }
0x2c: {  	[tilespmem:$0x11320] =	vst v0  }
0x2d: {  	[tilespmem:$0x11330] =	vst v0  }
0x2e: {  	[tilespmem:$0x11340] =	vst v0  }
0x2f: {  	[tilespmem:$0x11350] =	vst v0  }
0x30: {  	[tilespmem:$0x11360] =	vst v0  }
0x31: {  	s1 =	simm.s32 $0x0;
	[tilespmem:$0x11370] =	vst v0  }
.LBB2_2:
0x32: {  	p1 =	sne.s32 s1, $0x9FC0  }
.Ltmp0:
0x33: {  	_ = 	snop;
	(pc) =	sbr.rel @p1 .LBB2_2-.Ltmp0, $3  }
0x34: {  	_ =	sdelay $0x1  }
0x35: {  	s26 =	sshra.s32 s1, $0x2  }
0x36: {  	s1 =	sadd.s32 $0x40, s1;
	[tilespmem:s26+$0x13B80] =	vst v0  }
0x37: {  	s26 =	simm.s32 $0x0;
	s1 =	simm.s32 $0x40  }
.LBB2_4:
0x38: {  	p1 =	sne.s32 s1, $0x13840;
	v2 =	vld [tilespmem:s26+$0x4E80];
	_ =	sdelay $0x3  }
.Ltmp1:
0x39: {  	(pc) =	sbr.rel @p1 .LBB2_4-.Ltmp1, $2  }
0x3a: {  	_ =	sdelay $0x2  }
0x3b: {  	s26 =	sshra.s32 s1, $0x2;
	s1 =	sadd.s32 $0x40, s1;
	[tilespmem:v2+s17+$0x0] =	vst.idx.add.f32.msk $0xffff, v1  }
0x3c: {  	v2 =	vld [tilespmem:s26+$0x4E80];
	_ =	sdelay $0x7  }
0x3d: {  	[tilespmem:v2+s17+$0x0] =	vst.idx.add.f32.msk $0xffff, v1  }
0x3e: {  	[spmem:s8] =	stream.strided.scatter [tilespmem:s17], [sflag:$0x1], $0x2800, s19, s18, $0x38;
	[tilespmem:$0x1B900] =	vst v63  }
0x3f: {  	_ =	swait.ge [sflag:s13], $0x2800  }
0x40: {  	[sflag:s13] =	ssyncset.done $0x0  }
0x41: {  	[sflag:s13] =	ssyncadd.s32 $0xFFFFD800  }
0x42: {  	[bflag:$0x0] =	sbarrier.arrive $0xFFFF  }
0x43: {  	[tilespmem:s22], [sflag:$0x1] =	stream.strided.gather [spmem:s9], $0x2800, s21, s20, $0x38;
	[tilespmem:$0x1B900] =	vst v63  }
0x44: {  	s1 =	simm.s32 $0x0;
	_ =	swait.ge [sflag:s13], $0x2800  }
0x45: {  	s0 =	sand.u32 $0x70, s1;
	s1 =	sand.u32 $0x1C00, s1;
	[sflag:s13] =	ssyncset.done $0x0  }
0x46: {  	s1 =	sor.u32 s0, s1;
	[sflag:s13] =	ssyncadd.s32 $0xFFFFD800  }
0x47: {  	v2 =	vld [tilespmem:s1+$0x16400]  }
0x48: {  	v3 =	vld [tilespmem:s1+$0x16380];
	_ =	sdelay $0x1  }
0x49: {  	v4 =	vld [tilespmem:s1+$0x16480];
	_ =	sdelay $0x1  }
0x4a: {  	v5 =	vld [tilespmem:s1+$0x16500]  }
0x4b: {  	v2 =	vadd.f32 v2, v3  }
0x4c: {  	v3 =	vld [tilespmem:s1+$0x16580]  }
0x4d: {  	v2 =	vadd.f32 v4, v2  }
0x4e: {  	v55 =	vld [tilespmem:s1+$0x16600]  }
0x4f: {  	v2 =	vadd.f32 v5, v2  }
0x50: {  	v56 =	vld [tilespmem:s1+$0x16680]  }
0x51: {  	v2 =	vadd.f32 v3, v2  }
0x52: {  	v3 =	vld [tilespmem:s1+$0x16700]  }
0x53: {  	v2 =	vadd.f32 v55, v2  }
0x54: {  	v57 =	vld [tilespmem:s1+$0x17780]  }
0x55: {  	v2 =	vadd.f32 v56, v2  }
0x56: {  	v58 =	vld [tilespmem:s1+$0x17800]  }
0x57: {  	v2 =	vadd.f32 v3, v2  }
0x58: {  	v3 =	vld [tilespmem:s1+$0x17880]  }
0x59: {  	v2 =	vadd.f32 v57, v2  }
0x5a: {  	v59 =	vld [tilespmem:s1+$0x17900]  }
0x5b: {  	v2 =	vadd.f32 v58, v2  }
0x5c: {  	v60 =	vld [tilespmem:s1+$0x17980]  }
0x5d: {  	v2 =	vadd.f32 v3, v2  }
0x5e: {  	v3 =	vld [tilespmem:s1+$0x17A00]  }
0x5f: {  	v2 =	vadd.f32 v59, v2  }
0x60: {  	v61 =	vld [tilespmem:s1+$0x17A80]  }
0x61: {  	v2 =	vadd.f32 v60, v2  }
0x62: {  	v62 =	vld [tilespmem:s1+$0x17B00]  }
0x63: {  	v2 =	vadd.f32 v3, v2;
	_ =	sdelay $0x1  }
0x64: {  	v2 =	vadd.f32 v61, v2;
	_ =	sdelay $0x1  }
0x65: {  	v2 =	vadd.f32 v62, v2;
	_ =	sdelay $0x1  }
0x66: {  	v2 =	vadd.f32 $1.000000000e+00, v2;
	_ =	sdelay $0x1  }
0x67: {  	v3 =	vshrl.u32 v2, $0x1;
	v2 =	vmul.f32 $5.000000000e-01, v2  }
0x68: {  	v3 =	vsub.s32 $0x5F3759DF, v3  }
0x69: {  	v63 =	vmul.f32 v3, v2;
	_ =	sdelay $0x1  }
0x6a: {  	v4 =	vmul.f32 v3, v63;
	_ =	sdelay $0x1  }
0x6b: {  	v4 =	vsub.f32 $1.500000000e+00, v4;
	_ =	sdelay $0x1  }
0x6c: {  	v3 =	vmul.f32 v3, v4;
	_ =	sdelay $0x1  }
0x6d: {  	v4 =	vmul.f32 v3, v2;
	_ =	sdelay $0x1  }
0x6e: {  	v4 =	vmul.f32 v4, v3;
	_ =	sdelay $0x1  }
0x6f: {  	v4 =	vsub.f32 $1.500000000e+00, v4;
	_ =	sdelay $0x1  }
0x70: {  	v3 =	vmul.f32 v4, v3;
	_ =	sdelay $0x1  }
0x71: {  	v2 =	vmul.f32 v3, v2;
	_ =	sdelay $0x1  }
0x72: {  	v2 =	vmul.f32 v2, v3;
	_ =	sdelay $0x1  }
0x73: {  	v2 =	vsub.f32 $1.500000000e+00, v2;
	_ =	sdelay $0x1  }
0x74: {  	s31 =	simm.s32 $0x10;
	s28 =	simm.s32 $0x80;
	v2 =	vmul.f32 v2, v3  }
0x75: {  	s26 =	simm.s32 $0x18B80;
	s29 =	sand.u32 $0x1C00, s28;
	s1 =	sand.u32 $0x70, s31  }
0x76: {  	s30 =	sor.u32 s1, s29;
	s29 =	simm.s32 $0x20;
	[tilespmem:s26+$0x0] =	vst v2  }
.LBB2_6:
0x77: {  	p1 =	sne.s32 s29, $0x270;
	v2 =	vld [tilespmem:s30+$0x16400]  }
0x78: {  	v3 =	vld [tilespmem:s30+$0x16380];
	_ =	sdelay $0x1  }
0x79: {  	v4 =	vld [tilespmem:s30+$0x16480];
	_ =	sdelay $0x1  }
0x7a: {  	v5 =	vld [tilespmem:s30+$0x16500]  }
0x7b: {  	v2 =	vadd.f32 v2, v3  }
0x7c: {  	v3 =	vld [tilespmem:s30+$0x16580]  }
0x7d: {  	v2 =	vadd.f32 v4, v2  }
0x7e: {  	v4 =	vld [tilespmem:s30+$0x16600]  }
0x7f: {  	v2 =	vadd.f32 v5, v2  }
0x80: {  	v5 =	vld [tilespmem:s30+$0x16680]  }
0x81: {  	v2 =	vadd.f32 v3, v2  }
0x82: {  	v3 =	vld [tilespmem:s30+$0x16700]  }
0x83: {  	v2 =	vadd.f32 v4, v2  }
0x84: {  	v4 =	vld [tilespmem:s30+$0x17780]  }
0x85: {  	v2 =	vadd.f32 v5, v2  }
0x86: {  	v5 =	vld [tilespmem:s30+$0x17800]  }
0x87: {  	v2 =	vadd.f32 v3, v2  }
0x88: {  	v3 =	vld [tilespmem:s30+$0x17880]  }
0x89: {  	v2 =	vadd.f32 v4, v2  }
0x8a: {  	v4 =	vld [tilespmem:s30+$0x17900]  }
0x8b: {  	v2 =	vadd.f32 v5, v2  }
0x8c: {  	v5 =	vld [tilespmem:s30+$0x17980]  }
0x8d: {  	v2 =	vadd.f32 v3, v2  }
0x8e: {  	v3 =	vld [tilespmem:s30+$0x17A00]  }
0x8f: {  	v2 =	vadd.f32 v4, v2  }
0x90: {  	v4 =	vld [tilespmem:s30+$0x17A80]  }
0x91: {  	v2 =	vadd.f32 v5, v2  }
0x92: {  	v5 =	vld [tilespmem:s30+$0x17B00]  }
0x93: {  	v2 =	vadd.f32 v3, v2;
	_ =	sdelay $0x1  }
0x94: {  	v2 =	vadd.f32 v4, v2;
	_ =	sdelay $0x1  }
0x95: {  	v2 =	vadd.f32 v5, v2;
	_ =	sdelay $0x1  }
0x96: {  	v2 =	vadd.f32 $1.000000000e+00, v2;
	_ =	sdelay $0x1  }
0x97: {  	v3 =	vshrl.u32 v2, $0x1;
	v2 =	vmul.f32 $5.000000000e-01, v2  }
0x98: {  	v3 =	vsub.s32 $0x5F3759DF, v3  }
0x99: {  	v4 =	vmul.f32 v3, v2;
	_ =	sdelay $0x1  }
0x9a: {  	v4 =	vmul.f32 v3, v4;
	_ =	sdelay $0x1  }
0x9b: {  	v4 =	vsub.f32 $1.500000000e+00, v4;
	_ =	sdelay $0x1  }
0x9c: {  	v3 =	vmul.f32 v3, v4;
	_ =	sdelay $0x1  }
0x9d: {  	v4 =	vmul.f32 v3, v2;
	_ =	sdelay $0x1  }
0x9e: {  	v4 =	vmul.f32 v4, v3;
	_ =	sdelay $0x1  }
0x9f: {  	v4 =	vsub.f32 $1.500000000e+00, v4;
	_ =	sdelay $0x1  }
0xa0: {  	v3 =	vmul.f32 v4, v3;
	_ =	sdelay $0x1  }
0xa1: {  	v2 =	vmul.f32 v3, v2;
	_ =	sdelay $0x1  }
0xa2: {  	v2 =	vmul.f32 v2, v3;
	_ =	sdelay $0x1  }
.Ltmp2:
0xa3: {  	v2 =	vsub.f32 $1.500000000e+00, v2;
	(pc) =	sbr.rel @p1 .LBB2_6-.Ltmp2, $4  }
0xa4: {  	_ = 	snop  }
0xa5: {  	s28 =	sadd.s32 $0x80, s28;
	v2 =	vmul.f32 v2, v3  }
0xa6: {  	s1 =	sand.u32 $0x70, s29;
	s26 =	sadd.s32 $0x10, s26;
	s30 =	sand.u32 $0x1C00, s28  }
0xa7: {  	s29 =	sadd.s32 $0x10, s29;
	s30 =	sor.u32 s1, s30;
	[tilespmem:s26+$0x0] =	vst v2  }
0xa8: {  	v2 =	vld [tilespmem:s30+$0x16400]  }
0xa9: {  	v3 =	vld [tilespmem:s30+$0x16380];
	_ =	sdelay $0x1  }
0xaa: {  	v4 =	vld [tilespmem:s30+$0x16480];
	_ =	sdelay $0x1  }
0xab: {  	v5 =	vld [tilespmem:s30+$0x16500]  }
0xac: {  	v2 =	vadd.f32 v2, v3  }
0xad: {  	v3 =	vld [tilespmem:s30+$0x16580]  }
0xae: {  	v2 =	vadd.f32 v4, v2  }
0xaf: {  	v4 =	vld [tilespmem:s30+$0x16600]  }
0xb0: {  	v2 =	vadd.f32 v5, v2  }
0xb1: {  	v5 =	vld [tilespmem:s30+$0x16680]  }
0xb2: {  	v2 =	vadd.f32 v3, v2  }
0xb3: {  	v3 =	vld [tilespmem:s30+$0x16700]  }
0xb4: {  	v2 =	vadd.f32 v4, v2  }
0xb5: {  	v4 =	vld [tilespmem:s30+$0x17780]  }
0xb6: {  	v2 =	vadd.f32 v5, v2  }
0xb7: {  	v5 =	vld [tilespmem:s30+$0x17800]  }
0xb8: {  	v2 =	vadd.f32 v3, v2  }
0xb9: {  	v3 =	vld [tilespmem:s30+$0x17880]  }
0xba: {  	v2 =	vadd.f32 v4, v2  }
0xbb: {  	v4 =	vld [tilespmem:s30+$0x17900]  }
0xbc: {  	v2 =	vadd.f32 v5, v2  }
0xbd: {  	v5 =	vld [tilespmem:s30+$0x17980]  }
0xbe: {  	v2 =	vadd.f32 v3, v2  }
0xbf: {  	v3 =	vld [tilespmem:s30+$0x17A00]  }
0xc0: {  	v2 =	vadd.f32 v4, v2  }
0xc1: {  	v4 =	vld [tilespmem:s30+$0x17A80]  }
0xc2: {  	v2 =	vadd.f32 v5, v2  }
0xc3: {  	v5 =	vld [tilespmem:s30+$0x17B00]  }
0xc4: {  	v2 =	vadd.f32 v3, v2;
	_ =	sdelay $0x1  }
0xc5: {  	v2 =	vadd.f32 v4, v2;
	_ =	sdelay $0x1  }
0xc6: {  	v2 =	vadd.f32 v5, v2;
	_ =	sdelay $0x1  }
0xc7: {  	v2 =	vadd.f32 $1.000000000e+00, v2;
	_ =	sdelay $0x1  }
0xc8: {  	v3 =	vshrl.u32 v2, $0x1;
	v2 =	vmul.f32 $5.000000000e-01, v2  }
0xc9: {  	v3 =	vsub.s32 $0x5F3759DF, v3  }
0xca: {  	v4 =	vmul.f32 v3, v2;
	_ =	sdelay $0x1  }
0xcb: {  	v4 =	vmul.f32 v3, v4;
	_ =	sdelay $0x1  }
0xcc: {  	v4 =	vsub.f32 $1.500000000e+00, v4;
	_ =	sdelay $0x1  }
0xcd: {  	v3 =	vmul.f32 v3, v4;
	_ =	sdelay $0x1  }
0xce: {  	v4 =	vmul.f32 v3, v2;
	_ =	sdelay $0x1  }
0xcf: {  	v4 =	vmul.f32 v4, v3;
	_ =	sdelay $0x1  }
0xd0: {  	v4 =	vsub.f32 $1.500000000e+00, v4;
	_ =	sdelay $0x1  }
0xd1: {  	v3 =	vmul.f32 v4, v3;
	_ =	sdelay $0x1  }
0xd2: {  	v2 =	vmul.f32 v3, v2;
	_ =	sdelay $0x1  }
0xd3: {  	v2 =	vmul.f32 v2, v3;
	_ =	sdelay $0x1  }
0xd4: {  	v2 =	vsub.f32 $1.500000000e+00, v2;
	_ =	sdelay $0x1  }
0xd5: {  	v2 =	vmul.f32 v2, v3  }
0xd6: {  	s1 =	sadd.s32 $0x10, s26  }
0xd7: {  	[tilespmem:s1+$0x0] =	vst v2  }
0xd8: {  	[spmem:s10] =	stream.linear.scatter [tilespmem:s23], [sflag:$0x1], $0x280, $0x38;
	[tilespmem:$0x1B900] =	vst v63  }
0xd9: {  	_ =	swait.ge [sflag:s13], $0x280  }
0xda: {  	[sflag:s13] =	ssyncset.done $0x0  }
0xdb: {  	[sflag:s13] =	ssyncadd.s32 $0xFFFFFD80  }
0xdc: {  	[bflag:$0x0] =	sbarrier.arrive $0xFFFF  }
0xdd: {  	[tilespmem:s24], [sflag:$0x1] =	stream.linear.gather [spmem:s2], $0x2800, $0x38;
	[tilespmem:$0x1B900] =	vst v63  }
0xde: {  	_ =	swait.ge [sflag:s13], $0x2800  }
0xdf: {  	[sflag:s13] =	ssyncset.done $0x0  }
0xe0: {  	s26 =	simm.s32 $0x0;
	[sflag:s13] =	ssyncadd.s32 $0xFFFFD800  }
0xe1: {  	v2 =	vld [tilespmem:s26+$0x4E80]  }
0xe2: {  	v3 =	vld [tilespmem:s26+$0x0];
	_ =	sdelay $0x6  }
0xe3: {  	v2 =	vld.idx.msk [tilespmem:v2+s24+$0x0], $0xffff  }
0xe4: {  	s28 =	simm.s32 $0x10;
	v4 =	vld.idx.msk [tilespmem:v3+s24+$0x0], $0xffff  }
0xe5: {  	s29 =	simm.s32 $0x80;
	s1 =	simm.s32 $0x0;
	v3 =	vld [tilespmem:s28+$0x4E80]  }
.LBB2_8:
0xe6: {  	p1 =	sne.s32 s29, $0x13840;
	v5 =	vld [tilespmem:s28+$0x0];
	_ =	sdelay $0x3  }
0xe7: {  	v2 =	vmul.f32 v2, v4  }
.Ltmp3:
0xe8: {  	(pc) =	sbr.rel @p1 .LBB2_8-.Ltmp3, $4  }
0xe9: {  	[tilespmem:s26+$0x9D00] =	vst v2;
	s26 =	smov.u32 s28  }
0xea: {  	v2 =	vld.idx.msk [tilespmem:v3+s24+$0x0], $0xffff  }
0xeb: {  	s28 =	sshra.s32 s29, $0x2;
	v4 =	vld.idx.msk [tilespmem:v5+s24+$0x0], $0xffff  }
0xec: {  	s29 =	sadd.s32 $0x40, s29;
	v3 =	vld [tilespmem:s28+$0x4E80]  }
0xed: {  	_ = 	snop  }
0xee: {  	v5 =	vld [tilespmem:s28+$0x0];
	_ =	sdelay $0x3  }
0xef: {  	v2 =	vmul.f32 v2, v4;
	_ =	sdelay $0x1  }
0xf0: {  	[tilespmem:s26+$0x9D00] =	vst v2  }
0xf1: {  	v2 =	vld.idx.msk [tilespmem:v3+s24+$0x0], $0xffff  }
0xf2: {  	v3 =	vld.idx.msk [tilespmem:v5+s24+$0x0], $0xffff;
	_ =	sdelay $0x4  }
0xf3: {  	v2 =	vmul.f32 v2, v3;
	_ =	sdelay $0x1  }
0xf4: {  	[tilespmem:s28+$0x9D00] =	vst v2  }
.LBB2_10:
0xf5: {  	p1 =	sne.s32 s1, $0x9FC0  }
.Ltmp4:
0xf6: {  	_ = 	snop;
	(pc) =	sbr.rel @p1 .LBB2_10-.Ltmp4, $3  }
0xf7: {  	_ =	sdelay $0x1  }
0xf8: {  	s26 =	sshra.s32 s1, $0x2  }
0xf9: {  	s1 =	sadd.s32 $0x40, s1;
	[tilespmem:s26+$0x13B80] =	vst v0  }
0xfa: {  	s26 =	simm.s32 $0x0;
	s1 =	simm.s32 $0x40  }
.LBB2_12:
0xfb: {  	p1 =	sne.s32 s1, $0x13840;
	v2 =	vld [tilespmem:s26+$0x0];
	_ =	sdelay $0x6  }
0xfc: {  	v3 =	vld [tilespmem:s26+$0x4E80]  }
0xfd: {  	v2 =	vld.idx.msk [tilespmem:v2+s15+$0x0], $0xffff  }
0xfe: {  	v4 =	vld [tilespmem:s26+$0x9D00];
	_ =	sdelay $0x2  }
.Ltmp5:
0xff: {  	(pc) =	sbr.rel @p1 .LBB2_12-.Ltmp5, $3  }
0x100: {  	_ = 	snop  }
0x101: {  	v2 =	vmul.f32 v4, v2;
	_ =	sdelay $0x1  }
0x102: {  	s26 =	sshra.s32 s1, $0x2;
	s1 =	sadd.s32 $0x40, s1;
	[tilespmem:v3+s17+$0x0] =	vst.idx.add.f32.msk $0xffff, v2  }
0x103: {  	v2 =	vld [tilespmem:s26+$0x0];
	_ =	sdelay $0x5  }
0x104: {  	v3 =	vld [tilespmem:s26+$0x4E80]  }
0x105: {  	v4 =	vld [tilespmem:s26+$0x9D00]  }
0x106: {  	v2 =	vld.idx.msk [tilespmem:v2+s15+$0x0], $0xffff;
	_ =	sdelay $0x4  }
0x107: {  	v2 =	vmul.f32 v4, v2;
	_ =	sdelay $0x1  }
0x108: {  	[tilespmem:v3+s17+$0x0] =	vst.idx.add.f32.msk $0xffff, v2  }
0x109: {  	[spmem:s8] =	stream.strided.scatter [tilespmem:s17], [sflag:$0x1], $0x2800, s19, s18, $0x38;
	[tilespmem:$0x1B900] =	vst v63  }
0x10a: {  	_ =	swait.ge [sflag:s13], $0x2800  }
0x10b: {  	[sflag:s13] =	ssyncset.done $0x0  }
0x10c: {  	[sflag:s13] =	ssyncadd.s32 $0xFFFFD800  }
0x10d: {  	[bflag:$0x0] =	sbarrier.arrive $0xFFFF  }
0x10e: {  	[tilespmem:s22], [sflag:$0x1] =	stream.strided.gather [spmem:s9], $0x2800, s21, s20, $0x38;
	[tilespmem:$0x1B900] =	vst v63  }
0x10f: {  	s1 =	simm.s32 $0x0;
	_ =	swait.ge [sflag:s13], $0x2800  }
0x110: {  	s0 =	sand.u32 $0x70, s1;
	s1 =	sand.u32 $0x1C00, s1;
	[sflag:s13] =	ssyncset.done $0x0  }
0x111: {  	s1 =	sor.u32 s0, s1;
	[sflag:s13] =	ssyncadd.s32 $0xFFFFD800  }
0x112: {  	v2 =	vld [tilespmem:s1+$0x16400]  }
0x113: {  	v3 =	vld [tilespmem:s1+$0x16380];
	_ =	sdelay $0x1  }
0x114: {  	v54 =	vld [tilespmem:s1+$0x16480];
	_ =	sdelay $0x1  }
0x115: {  	v5 =	vld [tilespmem:s1+$0x16500]  }
0x116: {  	v2 =	vadd.f32 v2, v3  }
0x117: {  	v3 =	vld [tilespmem:s1+$0x16580]  }
0x118: {  	v2 =	vadd.f32 v54, v2  }
0x119: {  	v55 =	vld [tilespmem:s1+$0x16600]  }
0x11a: {  	v2 =	vadd.f32 v5, v2  }
0x11b: {  	v56 =	vld [tilespmem:s1+$0x16680]  }
0x11c: {  	v2 =	vadd.f32 v3, v2  }
0x11d: {  	v3 =	vld [tilespmem:s1+$0x16700]  }
0x11e: {  	v2 =	vadd.f32 v55, v2  }
0x11f: {  	v57 =	vld [tilespmem:s1+$0x17780]  }
0x120: {  	v2 =	vadd.f32 v56, v2  }
0x121: {  	v58 =	vld [tilespmem:s1+$0x17800]  }
0x122: {  	v2 =	vadd.f32 v3, v2  }
0x123: {  	v3 =	vld [tilespmem:s1+$0x17880]  }
0x124: {  	v2 =	vadd.f32 v57, v2  }
0x125: {  	v59 =	vld [tilespmem:s1+$0x17900]  }
0x126: {  	v2 =	vadd.f32 v58, v2  }
0x127: {  	v60 =	vld [tilespmem:s1+$0x17980]  }
0x128: {  	s28 =	sadd.s32 $0x0, s6;
	v2 =	vadd.f32 v3, v2  }
0x129: {  	s28 =	sand.u32 $0x7F80, s28;
	v3 =	vld [tilespmem:s1+$0x17A00]  }
0x12a: {  	s26 =	sor.u32 s0, s28;
	v61 =	vld [tilespmem:s1+$0x17A80];
	v2 =	vadd.f32 v59, v2  }
0x12b: {  	v6 =	vld [tilespmem:s26+$0x11380]  }
0x12c: {  	v62 =	vld [tilespmem:s1+$0x17B00];
	v2 =	vadd.f32 v60, v2  }
0x12d: {  	v7 =	vld [tilespmem:s26+$0xEB80]  }
0x12e: {  	v2 =	vadd.f32 v3, v2;
	_ =	sdelay $0x1  }
0x12f: {  	v63 =	vmul.f32 v6, v6;
	v3 =	vadd.f32 v61, v2  }
0x130: {  	v2 =	vld [tilespmem:$0x18E00]  }
0x131: {  	v4 =	vmul.f32 v7, v63;
	v3 =	vadd.f32 v62, v3;
	_ =	sdelay $0x1  }
0x132: {  	v3 =	vadd.f32 v4, v3;
	_ =	sdelay $0x1  }
0x133: {  	s31 =	simm.s32 $0x80;
	s28 =	simm.s32 $0x10;
	v3 =	vadd.f32 v3, v2  }
0x134: {  	s0 =	sand.u32 $0x1C00, s31;
	s30 =	sand.u32 $0x70, s28;
	s26 =	simm.s32 $0x18B80  }
0x135: {  	s29 =	sor.u32 s30, s0;
	s1 =	simm.s32 $0x20;
	[tilespmem:s26+$0x0] =	vst v3  }
.LBB2_14:
0x136: {  	p1 =	sne.s32 s1, $0x270;
	v3 =	vld [tilespmem:s29+$0x16400]  }
0x137: {  	v4 =	vld [tilespmem:s29+$0x16380];
	_ =	sdelay $0x1  }
0x138: {  	v5 =	vld [tilespmem:s29+$0x16480];
	_ =	sdelay $0x1  }
0x139: {  	v6 =	vld [tilespmem:s29+$0x16500]  }
0x13a: {  	v3 =	vadd.f32 v3, v4  }
0x13b: {  	v4 =	vld [tilespmem:s29+$0x16580]  }
0x13c: {  	v3 =	vadd.f32 v5, v3  }
0x13d: {  	v5 =	vld [tilespmem:s29+$0x16600]  }
0x13e: {  	v3 =	vadd.f32 v6, v3  }
0x13f: {  	v6 =	vld [tilespmem:s29+$0x16680]  }
0x140: {  	v3 =	vadd.f32 v4, v3  }
0x141: {  	v4 =	vld [tilespmem:s29+$0x16700]  }
0x142: {  	v3 =	vadd.f32 v5, v3  }
0x143: {  	v5 =	vld [tilespmem:s29+$0x17780]  }
0x144: {  	v3 =	vadd.f32 v6, v3  }
0x145: {  	v6 =	vld [tilespmem:s29+$0x17800]  }
0x146: {  	v3 =	vadd.f32 v4, v3  }
0x147: {  	v4 =	vld [tilespmem:s29+$0x17880]  }
0x148: {  	v3 =	vadd.f32 v5, v3  }
0x149: {  	v5 =	vld [tilespmem:s29+$0x17900]  }
0x14a: {  	v3 =	vadd.f32 v6, v3  }
0x14b: {  	v6 =	vld [tilespmem:s29+$0x17980]  }
0x14c: {  	s0 =	sadd.s32 s28, s6;
	s28 =	smov.u32 s1;
	v3 =	vadd.f32 v4, v3  }
0x14d: {  	s0 =	sand.u32 $0x7F80, s0;
	v4 =	vld [tilespmem:s29+$0x17A00]  }
0x14e: {  	s0 =	sor.u32 s30, s0;
	v3 =	vadd.f32 v5, v3;
	v5 =	vld [tilespmem:s29+$0x17A80]  }
0x14f: {  	v7 =	vld [tilespmem:s0+$0x11380]  }
0x150: {  	v3 =	vadd.f32 v6, v3;
	v6 =	vld [tilespmem:s29+$0x17B00]  }
0x151: {  	v8 =	vld [tilespmem:s0+$0xEB80]  }
0x152: {  	v3 =	vadd.f32 v4, v3;
	_ =	sdelay $0x1  }
0x153: {  	v3 =	vadd.f32 v5, v3;
	v4 =	vmul.f32 v7, v7;
	_ =	sdelay $0x1  }
0x154: {  	v3 =	vadd.f32 v6, v3;
	v4 =	vmul.f32 v8, v4;
	_ =	sdelay $0x1  }
.Ltmp6:
0x155: {  	v3 =	vadd.f32 v4, v3;
	(pc) =	sbr.rel @p1 .LBB2_14-.Ltmp6, $4  }
0x156: {  	_ = 	snop  }
0x157: {  	s31 =	sadd.s32 $0x80, s31;
	v3 =	vadd.f32 v3, v2  }
0x158: {  	s26 =	sadd.s32 $0x10, s26;
	s30 =	sand.u32 $0x70, s1;
	s0 =	sand.u32 $0x1C00, s31  }
0x159: {  	s1 =	sadd.s32 $0x10, s1;
	s29 =	sor.u32 s30, s0;
	[tilespmem:s26+$0x0] =	vst v3  }
0x15a: {  	v3 =	vld [tilespmem:s29+$0x16400]  }
0x15b: {  	v4 =	vld [tilespmem:s29+$0x16380];
	_ =	sdelay $0x1  }
0x15c: {  	v5 =	vld [tilespmem:s29+$0x16480];
	_ =	sdelay $0x1  }
0x15d: {  	v6 =	vld [tilespmem:s29+$0x16500]  }
0x15e: {  	v3 =	vadd.f32 v3, v4  }
0x15f: {  	v51 =	vld [tilespmem:s29+$0x16580]  }
0x160: {  	v3 =	vadd.f32 v5, v3  }
0x161: {  	v52 =	vld [tilespmem:s29+$0x16600]  }
0x162: {  	v3 =	vadd.f32 v6, v3  }
0x163: {  	v53 =	vld [tilespmem:s29+$0x16680]  }
0x164: {  	v3 =	vadd.f32 v51, v3  }
0x165: {  	v54 =	vld [tilespmem:s29+$0x16700]  }
0x166: {  	v3 =	vadd.f32 v52, v3  }
0x167: {  	v55 =	vld [tilespmem:s29+$0x17780]  }
0x168: {  	v3 =	vadd.f32 v53, v3  }
0x169: {  	v56 =	vld [tilespmem:s29+$0x17800]  }
0x16a: {  	v3 =	vadd.f32 v54, v3  }
0x16b: {  	v57 =	vld [tilespmem:s29+$0x17880]  }
0x16c: {  	v3 =	vadd.f32 v55, v3  }
0x16d: {  	v58 =	vld [tilespmem:s29+$0x17900]  }
0x16e: {  	v3 =	vadd.f32 v56, v3  }
0x16f: {  	v59 =	vld [tilespmem:s29+$0x17980]  }
0x170: {  	s0 =	sadd.s32 s28, s6;
	v3 =	vadd.f32 v57, v3  }
0x171: {  	v60 =	vld [tilespmem:s29+$0x17A00];
	s0 =	sand.u32 $0x7F80, s0  }
0x172: {  	v61 =	vld [tilespmem:s29+$0x17A80];
	s0 =	sor.u32 s30, s0;
	v3 =	vadd.f32 v58, v3  }
0x173: {  	v7 =	vld [tilespmem:s0+$0x11380]  }
0x174: {  	v62 =	vld [tilespmem:s29+$0x17B00];
	v3 =	vadd.f32 v59, v3  }
0x175: {  	v8 =	vld [tilespmem:s0+$0xEB80]  }
0x176: {  	v3 =	vadd.f32 v60, v3;
	_ =	sdelay $0x1  }
0x177: {  	v63 =	vmul.f32 v7, v7;
	v3 =	vadd.f32 v61, v3;
	_ =	sdelay $0x1  }
0x178: {  	v4 =	vmul.f32 v8, v63;
	v3 =	vadd.f32 v62, v3;
	_ =	sdelay $0x1  }
0x179: {  	v3 =	vadd.f32 v4, v3;
	_ =	sdelay $0x1  }
0x17a: {  	v2 =	vadd.f32 v3, v2  }
0x17b: {  	s31 =	sadd.s32 $0x10, s26  }
0x17c: {  	[tilespmem:s31+$0x0] =	vst v2  }
0x17d: {  	[spmem:s10] =	stream.linear.scatter [tilespmem:s23], [sflag:$0x1], $0x280, $0x38;
	[tilespmem:$0x1B900] =	vst v63  }
0x17e: {  	_ =	swait.ge [sflag:s13], $0x280  }
0x17f: {  	[sflag:s13] =	ssyncset.done $0x0  }
0x180: {  	[sflag:s13] =	ssyncadd.s32 $0xFFFFFD80  }
0x181: {  	[bflag:$0x0] =	sbarrier.arrive $0xFFFF  }
0x182: {  	[tilespmem:s15], [sflag:$0x1] =	stream.linear.gather [spmem:s2], $0x2800, $0x38;
	[tilespmem:$0x1B900] =	vst v63  }
0x183: {  	_ =	swait.ge [sflag:s13], $0x2800  }
0x184: {  	[sflag:s13] =	ssyncset.done $0x0  }
0x185: {  	s1 =	simm.s32 $0x40;
	s26 =	simm.s32 $0x0;
	[sflag:s13] =	ssyncadd.s32 $0xFFFFD800  }
.LBB2_16:
0x186: {  	p1 =	sne.s32 s1, $0x9FC0;
	[tilespmem:s26+$0x13B80] =	vst v0;
	s0 =	smov.u32 s1;
	s1 =	sadd.s32 $0x40, s1  }
.Ltmp7:
0x187: {  	(pc) =	sbr.rel @p1 .LBB2_16-.Ltmp7, $2  }
0x188: {  	_ =	sdelay $0x2  }
0x189: {  	s26 =	sshra.s32 s0, $0x2  }
0x18a: {  	[tilespmem:s26+$0x13B80] =	vst v0;
	s26 =	simm.s32 $0x0;
	s1 =	simm.s32 $0x40  }
.LBB2_18:
0x18b: {  	p1 =	sne.s32 s1, $0x13840;
	v2 =	vld [tilespmem:s26+$0x0];
	_ =	sdelay $0x6  }
0x18c: {  	v3 =	vld [tilespmem:s26+$0x4E80]  }
0x18d: {  	v2 =	vld.idx.msk [tilespmem:v2+s15+$0x0], $0xffff  }
0x18e: {  	v4 =	vld [tilespmem:s26+$0x9D00];
	_ =	sdelay $0x2  }
.Ltmp8:
0x18f: {  	(pc) =	sbr.rel @p1 .LBB2_18-.Ltmp8, $3  }
0x190: {  	_ = 	snop  }
0x191: {  	v2 =	vmul.f32 v4, v2;
	_ =	sdelay $0x1  }
0x192: {  	s26 =	sshra.s32 s1, $0x2;
	s1 =	sadd.s32 $0x40, s1;
	[tilespmem:v3+s17+$0x0] =	vst.idx.add.f32.msk $0xffff, v2  }
0x193: {  	v2 =	vld [tilespmem:s26+$0x0];
	_ =	sdelay $0x5  }
0x194: {  	v3 =	vld [tilespmem:s26+$0x4E80]  }
0x195: {  	v4 =	vld [tilespmem:s26+$0x9D00]  }
0x196: {  	v2 =	vld.idx.msk [tilespmem:v2+s15+$0x0], $0xffff;
	_ =	sdelay $0x4  }
0x197: {  	v2 =	vmul.f32 v4, v2;
	_ =	sdelay $0x1  }
0x198: {  	[tilespmem:v3+s17+$0x0] =	vst.idx.add.f32.msk $0xffff, v2  }
0x199: {  	[spmem:s8] =	stream.strided.scatter [tilespmem:s17], [sflag:$0x1], $0x2800, s19, s18, $0x38;
	[tilespmem:$0x1B900] =	vst v63  }
0x19a: {  	_ =	swait.ge [sflag:s13], $0x2800  }
0x19b: {  	[sflag:s13] =	ssyncset.done $0x0  }
0x19c: {  	[sflag:s13] =	ssyncadd.s32 $0xFFFFD800  }
0x19d: {  	[bflag:$0x0] =	sbarrier.arrive $0xFFFF  }
0x19e: {  	[tilespmem:s22], [sflag:$0x1] =	stream.strided.gather [spmem:s9], $0x2800, s21, s20, $0x38;
	[tilespmem:$0x1B900] =	vst v63  }
0x19f: {  	s0 =	simm.s32 $0x0;
	_ =	swait.ge [sflag:s13], $0x2800  }
0x1a0: {  	s1 =	sand.u32 $0x70, s0;
	s0 =	sand.u32 $0x1C00, s0;
	[sflag:s13] =	ssyncset.done $0x0  }
0x1a1: {  	s0 =	sor.u32 s1, s0;
	[sflag:s13] =	ssyncadd.s32 $0xFFFFD800  }
0x1a2: {  	v2 =	vld [tilespmem:s0+$0x16400]  }
0x1a3: {  	v3 =	vld [tilespmem:s0+$0x16380];
	_ =	sdelay $0x1  }
0x1a4: {  	v54 =	vld [tilespmem:s0+$0x16480];
	_ =	sdelay $0x1  }
0x1a5: {  	v5 =	vld [tilespmem:s0+$0x16500]  }
0x1a6: {  	v2 =	vadd.f32 v2, v3  }
0x1a7: {  	v3 =	vld [tilespmem:s0+$0x16580]  }
0x1a8: {  	v2 =	vadd.f32 v54, v2  }
0x1a9: {  	v55 =	vld [tilespmem:s0+$0x16600]  }
0x1aa: {  	v2 =	vadd.f32 v5, v2  }
0x1ab: {  	v56 =	vld [tilespmem:s0+$0x16680]  }
0x1ac: {  	v2 =	vadd.f32 v3, v2  }
0x1ad: {  	v3 =	vld [tilespmem:s0+$0x16700]  }
0x1ae: {  	v2 =	vadd.f32 v55, v2  }
0x1af: {  	v57 =	vld [tilespmem:s0+$0x17780]  }
0x1b0: {  	v2 =	vadd.f32 v56, v2  }
0x1b1: {  	v58 =	vld [tilespmem:s0+$0x17800]  }
0x1b2: {  	v2 =	vadd.f32 v3, v2  }
0x1b3: {  	v3 =	vld [tilespmem:s0+$0x17880]  }
0x1b4: {  	v2 =	vadd.f32 v57, v2  }
0x1b5: {  	v59 =	vld [tilespmem:s0+$0x17900]  }
0x1b6: {  	v2 =	vadd.f32 v58, v2  }
0x1b7: {  	v60 =	vld [tilespmem:s0+$0x17980]  }
0x1b8: {  	s26 =	sadd.s32 $0x0, s6;
	v2 =	vadd.f32 v3, v2  }
0x1b9: {  	s26 =	sand.u32 $0x7F80, s26;
	v3 =	vld [tilespmem:s0+$0x17A00]  }
0x1ba: {  	s1 =	sor.u32 s1, s26;
	v61 =	vld [tilespmem:s0+$0x17A80];
	v2 =	vadd.f32 v59, v2  }
0x1bb: {  	v6 =	vld [tilespmem:s1+$0x11380]  }
0x1bc: {  	v62 =	vld [tilespmem:s0+$0x17B00];
	v2 =	vadd.f32 v60, v2  }
0x1bd: {  	v7 =	vld [tilespmem:s1+$0xEB80]  }
0x1be: {  	v2 =	vadd.f32 v3, v2;
	_ =	sdelay $0x1  }
0x1bf: {  	v63 =	vmul.f32 v6, v6;
	v3 =	vadd.f32 v61, v2  }
0x1c0: {  	v2 =	vld [tilespmem:$0x18E10]  }
0x1c1: {  	v4 =	vmul.f32 v7, v63;
	v3 =	vadd.f32 v62, v3;
	_ =	sdelay $0x1  }
0x1c2: {  	v3 =	vadd.f32 v4, v3;
	_ =	sdelay $0x1  }
0x1c3: {  	s28 =	simm.s32 $0x10;
	s31 =	simm.s32 $0x80;
	v3 =	vadd.f32 v3, v2  }
0x1c4: {  	s30 =	sand.u32 $0x70, s28;
	s26 =	simm.s32 $0x18B80;
	s1 =	sand.u32 $0x1C00, s31  }
0x1c5: {  	s29 =	sor.u32 s30, s1;
	s1 =	simm.s32 $0x20;
	[tilespmem:s26+$0x0] =	vst v3  }
.LBB2_20:
0x1c6: {  	p1 =	sne.s32 s1, $0x270;
	v3 =	vld [tilespmem:s29+$0x16400]  }
0x1c7: {  	v4 =	vld [tilespmem:s29+$0x16380];
	_ =	sdelay $0x1  }
0x1c8: {  	v5 =	vld [tilespmem:s29+$0x16480];
	_ =	sdelay $0x1  }
0x1c9: {  	v6 =	vld [tilespmem:s29+$0x16500]  }
0x1ca: {  	v3 =	vadd.f32 v3, v4  }
0x1cb: {  	v4 =	vld [tilespmem:s29+$0x16580]  }
0x1cc: {  	v3 =	vadd.f32 v5, v3  }
0x1cd: {  	v5 =	vld [tilespmem:s29+$0x16600]  }
0x1ce: {  	v3 =	vadd.f32 v6, v3  }
0x1cf: {  	v6 =	vld [tilespmem:s29+$0x16680]  }
0x1d0: {  	v3 =	vadd.f32 v4, v3  }
0x1d1: {  	v4 =	vld [tilespmem:s29+$0x16700]  }
0x1d2: {  	v3 =	vadd.f32 v5, v3  }
0x1d3: {  	v5 =	vld [tilespmem:s29+$0x17780]  }
0x1d4: {  	v3 =	vadd.f32 v6, v3  }
0x1d5: {  	v6 =	vld [tilespmem:s29+$0x17800]  }
0x1d6: {  	v3 =	vadd.f32 v4, v3  }
0x1d7: {  	v4 =	vld [tilespmem:s29+$0x17880]  }
0x1d8: {  	v3 =	vadd.f32 v5, v3  }
0x1d9: {  	v5 =	vld [tilespmem:s29+$0x17900]  }
0x1da: {  	v3 =	vadd.f32 v6, v3  }
0x1db: {  	v6 =	vld [tilespmem:s29+$0x17980]  }
0x1dc: {  	s0 =	sadd.s32 s28, s6;
	s28 =	smov.u32 s1;
	v3 =	vadd.f32 v4, v3  }
0x1dd: {  	s0 =	sand.u32 $0x7F80, s0;
	v4 =	vld [tilespmem:s29+$0x17A00]  }
0x1de: {  	s0 =	sor.u32 s30, s0;
	v3 =	vadd.f32 v5, v3;
	v5 =	vld [tilespmem:s29+$0x17A80]  }
0x1df: {  	v7 =	vld [tilespmem:s0+$0x11380]  }
0x1e0: {  	v3 =	vadd.f32 v6, v3;
	v6 =	vld [tilespmem:s29+$0x17B00]  }
0x1e1: {  	v8 =	vld [tilespmem:s0+$0xEB80]  }
0x1e2: {  	v3 =	vadd.f32 v4, v3;
	_ =	sdelay $0x1  }
0x1e3: {  	v3 =	vadd.f32 v5, v3;
	v4 =	vmul.f32 v7, v7;
	_ =	sdelay $0x1  }
0x1e4: {  	v3 =	vadd.f32 v6, v3;
	v4 =	vmul.f32 v8, v4;
	_ =	sdelay $0x1  }
.Ltmp9:
0x1e5: {  	v3 =	vadd.f32 v4, v3;
	(pc) =	sbr.rel @p1 .LBB2_20-.Ltmp9, $4  }
0x1e6: {  	_ = 	snop  }
0x1e7: {  	s31 =	sadd.s32 $0x80, s31;
	v3 =	vadd.f32 v3, v2  }
0x1e8: {  	s26 =	sadd.s32 $0x10, s26;
	s30 =	sand.u32 $0x70, s1;
	s0 =	sand.u32 $0x1C00, s31  }
0x1e9: {  	s1 =	sadd.s32 $0x10, s1;
	s29 =	sor.u32 s30, s0;
	[tilespmem:s26+$0x0] =	vst v3  }
0x1ea: {  	v3 =	vld [tilespmem:s29+$0x16400]  }
0x1eb: {  	v4 =	vld [tilespmem:s29+$0x16380];
	_ =	sdelay $0x1  }
0x1ec: {  	v5 =	vld [tilespmem:s29+$0x16480];
	_ =	sdelay $0x1  }
0x1ed: {  	v6 =	vld [tilespmem:s29+$0x16500]  }
0x1ee: {  	v3 =	vadd.f32 v3, v4  }
0x1ef: {  	v51 =	vld [tilespmem:s29+$0x16580]  }
0x1f0: {  	v3 =	vadd.f32 v5, v3  }
0x1f1: {  	v52 =	vld [tilespmem:s29+$0x16600]  }
0x1f2: {  	v3 =	vadd.f32 v6, v3  }
0x1f3: {  	v53 =	vld [tilespmem:s29+$0x16680]  }
0x1f4: {  	v3 =	vadd.f32 v51, v3  }
0x1f5: {  	v54 =	vld [tilespmem:s29+$0x16700]  }
0x1f6: {  	v3 =	vadd.f32 v52, v3  }
0x1f7: {  	v55 =	vld [tilespmem:s29+$0x17780]  }
0x1f8: {  	v3 =	vadd.f32 v53, v3  }
0x1f9: {  	v56 =	vld [tilespmem:s29+$0x17800]  }
0x1fa: {  	v3 =	vadd.f32 v54, v3  }
0x1fb: {  	v57 =	vld [tilespmem:s29+$0x17880]  }
0x1fc: {  	v3 =	vadd.f32 v55, v3  }
0x1fd: {  	v58 =	vld [tilespmem:s29+$0x17900]  }
0x1fe: {  	v3 =	vadd.f32 v56, v3  }
0x1ff: {  	v59 =	vld [tilespmem:s29+$0x17980]  }
0x200: {  	s0 =	sadd.s32 s28, s6;
	v3 =	vadd.f32 v57, v3  }
0x201: {  	v60 =	vld [tilespmem:s29+$0x17A00];
	s0 =	sand.u32 $0x7F80, s0  }
0x202: {  	v61 =	vld [tilespmem:s29+$0x17A80];
	s0 =	sor.u32 s30, s0;
	v3 =	vadd.f32 v58, v3  }
0x203: {  	v7 =	vld [tilespmem:s0+$0x11380]  }
0x204: {  	v62 =	vld [tilespmem:s29+$0x17B00];
	v3 =	vadd.f32 v59, v3  }
0x205: {  	v8 =	vld [tilespmem:s0+$0xEB80]  }
0x206: {  	v3 =	vadd.f32 v60, v3;
	_ =	sdelay $0x1  }
0x207: {  	v63 =	vmul.f32 v7, v7;
	v3 =	vadd.f32 v61, v3;
	_ =	sdelay $0x1  }
0x208: {  	v4 =	vmul.f32 v8, v63;
	v3 =	vadd.f32 v62, v3;
	_ =	sdelay $0x1  }
0x209: {  	v3 =	vadd.f32 v4, v3;
	_ =	sdelay $0x1  }
0x20a: {  	v2 =	vadd.f32 v3, v2  }
0x20b: {  	s31 =	sadd.s32 $0x10, s26  }
0x20c: {  	[tilespmem:s31+$0x0] =	vst v2  }
0x20d: {  	[spmem:s10] =	stream.linear.scatter [tilespmem:s23], [sflag:$0x1], $0x280, $0x38;
	[tilespmem:$0x1B900] =	vst v63  }
0x20e: {  	_ =	swait.ge [sflag:s13], $0x280  }
0x20f: {  	[sflag:s13] =	ssyncset.done $0x0  }
0x210: {  	[sflag:s13] =	ssyncadd.s32 $0xFFFFFD80  }
0x211: {  	[bflag:$0x0] =	sbarrier.arrive $0xFFFF  }
0x212: {  	[tilespmem:s15], [sflag:$0x1] =	stream.linear.gather [spmem:s2], $0x2800, $0x38;
	[tilespmem:$0x1B900] =	vst v63  }
0x213: {  	_ =	swait.ge [sflag:s13], $0x2800  }
0x214: {  	[sflag:s13] =	ssyncset.done $0x0  }
0x215: {  	s1 =	simm.s32 $0x40;
	s26 =	simm.s32 $0x0;
	[sflag:s13] =	ssyncadd.s32 $0xFFFFD800  }
.LBB2_22:
0x216: {  	p1 =	sne.s32 s1, $0x9FC0;
	[tilespmem:s26+$0x13B80] =	vst v0;
	s0 =	smov.u32 s1;
	s1 =	sadd.s32 $0x40, s1  }
.Ltmp10:
0x217: {  	(pc) =	sbr.rel @p1 .LBB2_22-.Ltmp10, $2  }
0x218: {  	_ =	sdelay $0x2  }
0x219: {  	s26 =	sshra.s32 s0, $0x2  }
0x21a: {  	[tilespmem:s26+$0x13B80] =	vst v0;
	s26 =	simm.s32 $0x0;
	s1 =	simm.s32 $0x40  }
.LBB2_24:
0x21b: {  	p1 =	sne.s32 s1, $0x13840;
	v2 =	vld [tilespmem:s26+$0x0];
	_ =	sdelay $0x6  }
0x21c: {  	v3 =	vld [tilespmem:s26+$0x4E80]  }
0x21d: {  	v2 =	vld.idx.msk [tilespmem:v2+s15+$0x0], $0xffff  }
0x21e: {  	v4 =	vld [tilespmem:s26+$0x9D00];
	_ =	sdelay $0x2  }
.Ltmp11:
0x21f: {  	(pc) =	sbr.rel @p1 .LBB2_24-.Ltmp11, $3  }
0x220: {  	_ = 	snop  }
0x221: {  	v2 =	vmul.f32 v4, v2;
	_ =	sdelay $0x1  }
0x222: {  	s26 =	sshra.s32 s1, $0x2;
	s1 =	sadd.s32 $0x40, s1;
	[tilespmem:v3+s17+$0x0] =	vst.idx.add.f32.msk $0xffff, v2  }
0x223: {  	v2 =	vld [tilespmem:s26+$0x0];
	_ =	sdelay $0x5  }
0x224: {  	v3 =	vld [tilespmem:s26+$0x4E80]  }
0x225: {  	v4 =	vld [tilespmem:s26+$0x9D00]  }
0x226: {  	v2 =	vld.idx.msk [tilespmem:v2+s15+$0x0], $0xffff;
	_ =	sdelay $0x4  }
0x227: {  	v2 =	vmul.f32 v4, v2;
	_ =	sdelay $0x1  }
0x228: {  	[tilespmem:v3+s17+$0x0] =	vst.idx.add.f32.msk $0xffff, v2  }
0x229: {  	[spmem:s8] =	stream.strided.scatter [tilespmem:s17], [sflag:$0x1], $0x2800, s19, s18, $0x38;
	[tilespmem:$0x1B900] =	vst v63  }
0x22a: {  	_ =	swait.ge [sflag:s13], $0x2800  }
0x22b: {  	[sflag:s13] =	ssyncset.done $0x0  }
0x22c: {  	[sflag:s13] =	ssyncadd.s32 $0xFFFFD800  }
0x22d: {  	[bflag:$0x0] =	sbarrier.arrive $0xFFFF  }
0x22e: {  	[tilespmem:s22], [sflag:$0x1] =	stream.strided.gather [spmem:s9], $0x2800, s21, s20, $0x38;
	[tilespmem:$0x1B900] =	vst v63  }
0x22f: {  	s0 =	simm.s32 $0x0;
	_ =	swait.ge [sflag:s13], $0x2800  }
0x230: {  	s1 =	sand.u32 $0x70, s0;
	s0 =	sand.u32 $0x1C00, s0;
	[sflag:s13] =	ssyncset.done $0x0  }
0x231: {  	s0 =	sor.u32 s1, s0;
	[sflag:s13] =	ssyncadd.s32 $0xFFFFD800  }
0x232: {  	v2 =	vld [tilespmem:s0+$0x16400]  }
0x233: {  	v3 =	vld [tilespmem:s0+$0x16380];
	_ =	sdelay $0x1  }
0x234: {  	v54 =	vld [tilespmem:s0+$0x16480];
	_ =	sdelay $0x1  }
0x235: {  	v5 =	vld [tilespmem:s0+$0x16500]  }
0x236: {  	v2 =	vadd.f32 v2, v3  }
0x237: {  	v3 =	vld [tilespmem:s0+$0x16580]  }
0x238: {  	v2 =	vadd.f32 v54, v2  }
0x239: {  	v55 =	vld [tilespmem:s0+$0x16600]  }
0x23a: {  	v2 =	vadd.f32 v5, v2  }
0x23b: {  	v56 =	vld [tilespmem:s0+$0x16680]  }
0x23c: {  	v2 =	vadd.f32 v3, v2  }
0x23d: {  	v3 =	vld [tilespmem:s0+$0x16700]  }
0x23e: {  	v2 =	vadd.f32 v55, v2  }
0x23f: {  	v57 =	vld [tilespmem:s0+$0x17780]  }
0x240: {  	v2 =	vadd.f32 v56, v2  }
0x241: {  	v58 =	vld [tilespmem:s0+$0x17800]  }
0x242: {  	v2 =	vadd.f32 v3, v2  }
0x243: {  	v3 =	vld [tilespmem:s0+$0x17880]  }
0x244: {  	v2 =	vadd.f32 v57, v2  }
0x245: {  	v59 =	vld [tilespmem:s0+$0x17900]  }
0x246: {  	v2 =	vadd.f32 v58, v2  }
0x247: {  	v60 =	vld [tilespmem:s0+$0x17980]  }
0x248: {  	s26 =	sadd.s32 $0x0, s6;
	v2 =	vadd.f32 v3, v2  }
0x249: {  	s26 =	sand.u32 $0x7F80, s26;
	v3 =	vld [tilespmem:s0+$0x17A00]  }
0x24a: {  	s1 =	sor.u32 s1, s26;
	v61 =	vld [tilespmem:s0+$0x17A80];
	v2 =	vadd.f32 v59, v2  }
0x24b: {  	v6 =	vld [tilespmem:s1+$0x11380]  }
0x24c: {  	v62 =	vld [tilespmem:s0+$0x17B00];
	v2 =	vadd.f32 v60, v2  }
0x24d: {  	v7 =	vld [tilespmem:s1+$0xEB80]  }
0x24e: {  	v2 =	vadd.f32 v3, v2;
	_ =	sdelay $0x1  }
0x24f: {  	v63 =	vmul.f32 v6, v6;
	v3 =	vadd.f32 v61, v2  }
0x250: {  	v2 =	vld [tilespmem:$0x18E20]  }
0x251: {  	v4 =	vmul.f32 v7, v63;
	v3 =	vadd.f32 v62, v3;
	_ =	sdelay $0x1  }
0x252: {  	v3 =	vadd.f32 v4, v3;
	_ =	sdelay $0x1  }
0x253: {  	s28 =	simm.s32 $0x10;
	s31 =	simm.s32 $0x80;
	v3 =	vadd.f32 v3, v2  }
0x254: {  	s30 =	sand.u32 $0x70, s28;
	s26 =	simm.s32 $0x18B80;
	s1 =	sand.u32 $0x1C00, s31  }
0x255: {  	s29 =	sor.u32 s30, s1;
	s1 =	simm.s32 $0x20;
	[tilespmem:s26+$0x0] =	vst v3  }
.LBB2_26:
0x256: {  	p1 =	sne.s32 s1, $0x270;
	v3 =	vld [tilespmem:s29+$0x16400]  }
0x257: {  	v4 =	vld [tilespmem:s29+$0x16380];
	_ =	sdelay $0x1  }
0x258: {  	v5 =	vld [tilespmem:s29+$0x16480];
	_ =	sdelay $0x1  }
0x259: {  	v6 =	vld [tilespmem:s29+$0x16500]  }
0x25a: {  	v3 =	vadd.f32 v3, v4  }
0x25b: {  	v4 =	vld [tilespmem:s29+$0x16580]  }
0x25c: {  	v3 =	vadd.f32 v5, v3  }
0x25d: {  	v5 =	vld [tilespmem:s29+$0x16600]  }
0x25e: {  	v3 =	vadd.f32 v6, v3  }
0x25f: {  	v6 =	vld [tilespmem:s29+$0x16680]  }
0x260: {  	v3 =	vadd.f32 v4, v3  }
0x261: {  	v4 =	vld [tilespmem:s29+$0x16700]  }
0x262: {  	v3 =	vadd.f32 v5, v3  }
0x263: {  	v5 =	vld [tilespmem:s29+$0x17780]  }
0x264: {  	v3 =	vadd.f32 v6, v3  }
0x265: {  	v6 =	vld [tilespmem:s29+$0x17800]  }
0x266: {  	v3 =	vadd.f32 v4, v3  }
0x267: {  	v4 =	vld [tilespmem:s29+$0x17880]  }
0x268: {  	v3 =	vadd.f32 v5, v3  }
0x269: {  	v5 =	vld [tilespmem:s29+$0x17900]  }
0x26a: {  	v3 =	vadd.f32 v6, v3  }
0x26b: {  	v6 =	vld [tilespmem:s29+$0x17980]  }
0x26c: {  	s0 =	sadd.s32 s28, s6;
	s28 =	smov.u32 s1;
	v3 =	vadd.f32 v4, v3  }
0x26d: {  	s0 =	sand.u32 $0x7F80, s0;
	v4 =	vld [tilespmem:s29+$0x17A00]  }
0x26e: {  	s0 =	sor.u32 s30, s0;
	v3 =	vadd.f32 v5, v3;
	v5 =	vld [tilespmem:s29+$0x17A80]  }
0x26f: {  	v7 =	vld [tilespmem:s0+$0x11380]  }
0x270: {  	v3 =	vadd.f32 v6, v3;
	v6 =	vld [tilespmem:s29+$0x17B00]  }
0x271: {  	v8 =	vld [tilespmem:s0+$0xEB80]  }
0x272: {  	v3 =	vadd.f32 v4, v3;
	_ =	sdelay $0x1  }
0x273: {  	v3 =	vadd.f32 v5, v3;
	v4 =	vmul.f32 v7, v7;
	_ =	sdelay $0x1  }
0x274: {  	v3 =	vadd.f32 v6, v3;
	v4 =	vmul.f32 v8, v4;
	_ =	sdelay $0x1  }
.Ltmp12:
0x275: {  	v3 =	vadd.f32 v4, v3;
	(pc) =	sbr.rel @p1 .LBB2_26-.Ltmp12, $4  }
0x276: {  	_ = 	snop  }
0x277: {  	s31 =	sadd.s32 $0x80, s31;
	v3 =	vadd.f32 v3, v2  }
0x278: {  	s26 =	sadd.s32 $0x10, s26;
	s30 =	sand.u32 $0x70, s1;
	s0 =	sand.u32 $0x1C00, s31  }
0x279: {  	s1 =	sadd.s32 $0x10, s1;
	s29 =	sor.u32 s30, s0;
	[tilespmem:s26+$0x0] =	vst v3  }
0x27a: {  	v3 =	vld [tilespmem:s29+$0x16400]  }
0x27b: {  	v4 =	vld [tilespmem:s29+$0x16380];
	_ =	sdelay $0x1  }
0x27c: {  	v5 =	vld [tilespmem:s29+$0x16480];
	_ =	sdelay $0x1  }
0x27d: {  	v6 =	vld [tilespmem:s29+$0x16500]  }
0x27e: {  	v3 =	vadd.f32 v3, v4  }
0x27f: {  	v51 =	vld [tilespmem:s29+$0x16580]  }
0x280: {  	v3 =	vadd.f32 v5, v3  }
0x281: {  	v52 =	vld [tilespmem:s29+$0x16600]  }
0x282: {  	v3 =	vadd.f32 v6, v3  }
0x283: {  	v53 =	vld [tilespmem:s29+$0x16680]  }
0x284: {  	v3 =	vadd.f32 v51, v3  }
0x285: {  	v54 =	vld [tilespmem:s29+$0x16700]  }
0x286: {  	v3 =	vadd.f32 v52, v3  }
0x287: {  	v55 =	vld [tilespmem:s29+$0x17780]  }
0x288: {  	v3 =	vadd.f32 v53, v3  }
0x289: {  	v56 =	vld [tilespmem:s29+$0x17800]  }
0x28a: {  	v3 =	vadd.f32 v54, v3  }
0x28b: {  	v57 =	vld [tilespmem:s29+$0x17880]  }
0x28c: {  	v3 =	vadd.f32 v55, v3  }
0x28d: {  	v58 =	vld [tilespmem:s29+$0x17900]  }
0x28e: {  	v3 =	vadd.f32 v56, v3  }
0x28f: {  	v59 =	vld [tilespmem:s29+$0x17980]  }
0x290: {  	s0 =	sadd.s32 s28, s6;
	v3 =	vadd.f32 v57, v3  }
0x291: {  	v60 =	vld [tilespmem:s29+$0x17A00];
	s0 =	sand.u32 $0x7F80, s0  }
0x292: {  	v61 =	vld [tilespmem:s29+$0x17A80];
	s0 =	sor.u32 s30, s0;
	v3 =	vadd.f32 v58, v3  }
0x293: {  	v7 =	vld [tilespmem:s0+$0x11380]  }
0x294: {  	v62 =	vld [tilespmem:s29+$0x17B00];
	v3 =	vadd.f32 v59, v3  }
0x295: {  	v8 =	vld [tilespmem:s0+$0xEB80]  }
0x296: {  	v3 =	vadd.f32 v60, v3;
	_ =	sdelay $0x1  }
0x297: {  	v63 =	vmul.f32 v7, v7;
	v3 =	vadd.f32 v61, v3;
	_ =	sdelay $0x1  }
0x298: {  	v4 =	vmul.f32 v8, v63;
	v3 =	vadd.f32 v62, v3;
	_ =	sdelay $0x1  }
0x299: {  	v3 =	vadd.f32 v4, v3;
	_ =	sdelay $0x1  }
0x29a: {  	v2 =	vadd.f32 v3, v2  }
0x29b: {  	s31 =	sadd.s32 $0x10, s26  }
0x29c: {  	[tilespmem:s31+$0x0] =	vst v2  }
0x29d: {  	[spmem:s10] =	stream.linear.scatter [tilespmem:s23], [sflag:$0x1], $0x280, $0x38;
	[tilespmem:$0x1B900] =	vst v63  }
0x29e: {  	_ =	swait.ge [sflag:s13], $0x280  }
0x29f: {  	[sflag:s13] =	ssyncset.done $0x0  }
0x2a0: {  	[sflag:s13] =	ssyncadd.s32 $0xFFFFFD80  }
0x2a1: {  	[bflag:$0x0] =	sbarrier.arrive $0xFFFF  }
0x2a2: {  	[tilespmem:s15], [sflag:$0x1] =	stream.linear.gather [spmem:s2], $0x2800, $0x38;
	[tilespmem:$0x1B900] =	vst v63  }
0x2a3: {  	_ =	swait.ge [sflag:s13], $0x2800  }
0x2a4: {  	[sflag:s13] =	ssyncset.done $0x0  }
0x2a5: {  	s1 =	simm.s32 $0x40;
	s26 =	simm.s32 $0x0;
	[sflag:s13] =	ssyncadd.s32 $0xFFFFD800  }
.LBB2_28:
0x2a6: {  	p1 =	sne.s32 s1, $0x9FC0;
	[tilespmem:s26+$0x13B80] =	vst v0;
	s0 =	smov.u32 s1;
	s1 =	sadd.s32 $0x40, s1  }
.Ltmp13:
0x2a7: {  	(pc) =	sbr.rel @p1 .LBB2_28-.Ltmp13, $2  }
0x2a8: {  	_ =	sdelay $0x2  }
0x2a9: {  	s26 =	sshra.s32 s0, $0x2  }
0x2aa: {  	[tilespmem:s26+$0x13B80] =	vst v0;
	s26 =	simm.s32 $0x0;
	s1 =	simm.s32 $0x40  }
.LBB2_30:
0x2ab: {  	p1 =	sne.s32 s1, $0x13840;
	v2 =	vld [tilespmem:s26+$0x0];
	_ =	sdelay $0x6  }
0x2ac: {  	v3 =	vld [tilespmem:s26+$0x4E80]  }
0x2ad: {  	v2 =	vld.idx.msk [tilespmem:v2+s15+$0x0], $0xffff  }
0x2ae: {  	v4 =	vld [tilespmem:s26+$0x9D00];
	_ =	sdelay $0x2  }
.Ltmp14:
0x2af: {  	(pc) =	sbr.rel @p1 .LBB2_30-.Ltmp14, $3  }
0x2b0: {  	_ = 	snop  }
0x2b1: {  	v2 =	vmul.f32 v4, v2;
	_ =	sdelay $0x1  }
0x2b2: {  	s26 =	sshra.s32 s1, $0x2;
	s1 =	sadd.s32 $0x40, s1;
	[tilespmem:v3+s17+$0x0] =	vst.idx.add.f32.msk $0xffff, v2  }
0x2b3: {  	v2 =	vld [tilespmem:s26+$0x0];
	_ =	sdelay $0x5  }
0x2b4: {  	v3 =	vld [tilespmem:s26+$0x4E80]  }
0x2b5: {  	v4 =	vld [tilespmem:s26+$0x9D00]  }
0x2b6: {  	v2 =	vld.idx.msk [tilespmem:v2+s15+$0x0], $0xffff;
	_ =	sdelay $0x4  }
0x2b7: {  	v2 =	vmul.f32 v4, v2;
	_ =	sdelay $0x1  }
0x2b8: {  	[tilespmem:v3+s17+$0x0] =	vst.idx.add.f32.msk $0xffff, v2  }
0x2b9: {  	[spmem:s8] =	stream.strided.scatter [tilespmem:s17], [sflag:$0x1], $0x2800, s19, s18, $0x38;
	[tilespmem:$0x1B900] =	vst v63  }
0x2ba: {  	_ =	swait.ge [sflag:s13], $0x2800  }
0x2bb: {  	[sflag:s13] =	ssyncset.done $0x0  }
0x2bc: {  	[sflag:s13] =	ssyncadd.s32 $0xFFFFD800  }
0x2bd: {  	[bflag:$0x0] =	sbarrier.arrive $0xFFFF  }
0x2be: {  	[tilespmem:s22], [sflag:$0x1] =	stream.strided.gather [spmem:s9], $0x2800, s21, s20, $0x38;
	[tilespmem:$0x1B900] =	vst v63  }
0x2bf: {  	s0 =	simm.s32 $0x0;
	_ =	swait.ge [sflag:s13], $0x2800  }
0x2c0: {  	s1 =	sand.u32 $0x70, s0;
	s0 =	sand.u32 $0x1C00, s0;
	[sflag:s13] =	ssyncset.done $0x0  }
0x2c1: {  	s0 =	sor.u32 s1, s0;
	[sflag:s13] =	ssyncadd.s32 $0xFFFFD800  }
0x2c2: {  	v2 =	vld [tilespmem:s0+$0x16400]  }
0x2c3: {  	v3 =	vld [tilespmem:s0+$0x16380];
	_ =	sdelay $0x1  }
0x2c4: {  	v54 =	vld [tilespmem:s0+$0x16480];
	_ =	sdelay $0x1  }
0x2c5: {  	v5 =	vld [tilespmem:s0+$0x16500]  }
0x2c6: {  	v2 =	vadd.f32 v2, v3  }
0x2c7: {  	v3 =	vld [tilespmem:s0+$0x16580]  }
0x2c8: {  	v2 =	vadd.f32 v54, v2  }
0x2c9: {  	v55 =	vld [tilespmem:s0+$0x16600]  }
0x2ca: {  	v2 =	vadd.f32 v5, v2  }
0x2cb: {  	v56 =	vld [tilespmem:s0+$0x16680]  }
0x2cc: {  	v2 =	vadd.f32 v3, v2  }
0x2cd: {  	v3 =	vld [tilespmem:s0+$0x16700]  }
0x2ce: {  	v2 =	vadd.f32 v55, v2  }
0x2cf: {  	v57 =	vld [tilespmem:s0+$0x17780]  }
0x2d0: {  	v2 =	vadd.f32 v56, v2  }
0x2d1: {  	v58 =	vld [tilespmem:s0+$0x17800]  }
0x2d2: {  	v2 =	vadd.f32 v3, v2  }
0x2d3: {  	v3 =	vld [tilespmem:s0+$0x17880]  }
0x2d4: {  	v2 =	vadd.f32 v57, v2  }
0x2d5: {  	v59 =	vld [tilespmem:s0+$0x17900]  }
0x2d6: {  	v2 =	vadd.f32 v58, v2  }
0x2d7: {  	v60 =	vld [tilespmem:s0+$0x17980]  }
0x2d8: {  	s26 =	sadd.s32 $0x0, s6;
	v2 =	vadd.f32 v3, v2  }
0x2d9: {  	s26 =	sand.u32 $0x7F80, s26;
	v3 =	vld [tilespmem:s0+$0x17A00]  }
0x2da: {  	s1 =	sor.u32 s1, s26;
	v61 =	vld [tilespmem:s0+$0x17A80];
	v2 =	vadd.f32 v59, v2  }
0x2db: {  	v6 =	vld [tilespmem:s1+$0x11380]  }
0x2dc: {  	v62 =	vld [tilespmem:s0+$0x17B00];
	v2 =	vadd.f32 v60, v2  }
0x2dd: {  	v7 =	vld [tilespmem:s1+$0xEB80]  }
0x2de: {  	v2 =	vadd.f32 v3, v2;
	_ =	sdelay $0x1  }
0x2df: {  	v63 =	vmul.f32 v6, v6;
	v3 =	vadd.f32 v61, v2  }
0x2e0: {  	v2 =	vld [tilespmem:$0x18E30]  }
0x2e1: {  	v4 =	vmul.f32 v7, v63;
	v3 =	vadd.f32 v62, v3;
	_ =	sdelay $0x1  }
0x2e2: {  	v3 =	vadd.f32 v4, v3;
	_ =	sdelay $0x1  }
0x2e3: {  	s28 =	simm.s32 $0x10;
	s31 =	simm.s32 $0x80;
	v3 =	vadd.f32 v3, v2  }
0x2e4: {  	s30 =	sand.u32 $0x70, s28;
	s26 =	simm.s32 $0x18B80;
	s1 =	sand.u32 $0x1C00, s31  }
0x2e5: {  	s29 =	sor.u32 s30, s1;
	s1 =	simm.s32 $0x20;
	[tilespmem:s26+$0x0] =	vst v3  }
.LBB2_32:
0x2e6: {  	p1 =	sne.s32 s1, $0x270;
	v3 =	vld [tilespmem:s29+$0x16400]  }
0x2e7: {  	v4 =	vld [tilespmem:s29+$0x16380];
	_ =	sdelay $0x1  }
0x2e8: {  	v5 =	vld [tilespmem:s29+$0x16480];
	_ =	sdelay $0x1  }
0x2e9: {  	v6 =	vld [tilespmem:s29+$0x16500]  }
0x2ea: {  	v3 =	vadd.f32 v3, v4  }
0x2eb: {  	v4 =	vld [tilespmem:s29+$0x16580]  }
0x2ec: {  	v3 =	vadd.f32 v5, v3  }
0x2ed: {  	v5 =	vld [tilespmem:s29+$0x16600]  }
0x2ee: {  	v3 =	vadd.f32 v6, v3  }
0x2ef: {  	v6 =	vld [tilespmem:s29+$0x16680]  }
0x2f0: {  	v3 =	vadd.f32 v4, v3  }
0x2f1: {  	v4 =	vld [tilespmem:s29+$0x16700]  }
0x2f2: {  	v3 =	vadd.f32 v5, v3  }
0x2f3: {  	v5 =	vld [tilespmem:s29+$0x17780]  }
0x2f4: {  	v3 =	vadd.f32 v6, v3  }
0x2f5: {  	v6 =	vld [tilespmem:s29+$0x17800]  }
0x2f6: {  	v3 =	vadd.f32 v4, v3  }
0x2f7: {  	v4 =	vld [tilespmem:s29+$0x17880]  }
0x2f8: {  	v3 =	vadd.f32 v5, v3  }
0x2f9: {  	v5 =	vld [tilespmem:s29+$0x17900]  }
0x2fa: {  	v3 =	vadd.f32 v6, v3  }
0x2fb: {  	v6 =	vld [tilespmem:s29+$0x17980]  }
0x2fc: {  	s0 =	sadd.s32 s28, s6;
	s28 =	smov.u32 s1;
	v3 =	vadd.f32 v4, v3  }
0x2fd: {  	s0 =	sand.u32 $0x7F80, s0;
	v4 =	vld [tilespmem:s29+$0x17A00]  }
0x2fe: {  	s0 =	sor.u32 s30, s0;
	v3 =	vadd.f32 v5, v3;
	v5 =	vld [tilespmem:s29+$0x17A80]  }
0x2ff: {  	v7 =	vld [tilespmem:s0+$0x11380]  }
0x300: {  	v3 =	vadd.f32 v6, v3;
	v6 =	vld [tilespmem:s29+$0x17B00]  }
0x301: {  	v8 =	vld [tilespmem:s0+$0xEB80]  }
0x302: {  	v3 =	vadd.f32 v4, v3;
	_ =	sdelay $0x1  }
0x303: {  	v3 =	vadd.f32 v5, v3;
	v4 =	vmul.f32 v7, v7;
	_ =	sdelay $0x1  }
0x304: {  	v3 =	vadd.f32 v6, v3;
	v4 =	vmul.f32 v8, v4;
	_ =	sdelay $0x1  }
.Ltmp15:
0x305: {  	v3 =	vadd.f32 v4, v3;
	(pc) =	sbr.rel @p1 .LBB2_32-.Ltmp15, $4  }
0x306: {  	_ = 	snop  }
0x307: {  	s31 =	sadd.s32 $0x80, s31;
	v3 =	vadd.f32 v3, v2  }
0x308: {  	s26 =	sadd.s32 $0x10, s26;
	s30 =	sand.u32 $0x70, s1;
	s0 =	sand.u32 $0x1C00, s31  }
0x309: {  	s1 =	sadd.s32 $0x10, s1;
	s29 =	sor.u32 s30, s0;
	[tilespmem:s26+$0x0] =	vst v3  }
0x30a: {  	v3 =	vld [tilespmem:s29+$0x16400]  }
0x30b: {  	v4 =	vld [tilespmem:s29+$0x16380];
	_ =	sdelay $0x1  }
0x30c: {  	v5 =	vld [tilespmem:s29+$0x16480];
	_ =	sdelay $0x1  }
0x30d: {  	v6 =	vld [tilespmem:s29+$0x16500]  }
0x30e: {  	v3 =	vadd.f32 v3, v4  }
0x30f: {  	v51 =	vld [tilespmem:s29+$0x16580]  }
0x310: {  	v3 =	vadd.f32 v5, v3  }
0x311: {  	v52 =	vld [tilespmem:s29+$0x16600]  }
0x312: {  	v3 =	vadd.f32 v6, v3  }
0x313: {  	v53 =	vld [tilespmem:s29+$0x16680]  }
0x314: {  	v3 =	vadd.f32 v51, v3  }
0x315: {  	v54 =	vld [tilespmem:s29+$0x16700]  }
0x316: {  	v3 =	vadd.f32 v52, v3  }
0x317: {  	v55 =	vld [tilespmem:s29+$0x17780]  }
0x318: {  	v3 =	vadd.f32 v53, v3  }
0x319: {  	v56 =	vld [tilespmem:s29+$0x17800]  }
0x31a: {  	v3 =	vadd.f32 v54, v3  }
0x31b: {  	v57 =	vld [tilespmem:s29+$0x17880]  }
0x31c: {  	v3 =	vadd.f32 v55, v3  }
0x31d: {  	v58 =	vld [tilespmem:s29+$0x17900]  }
0x31e: {  	v3 =	vadd.f32 v56, v3  }
0x31f: {  	v59 =	vld [tilespmem:s29+$0x17980]  }
0x320: {  	s0 =	sadd.s32 s28, s6;
	v3 =	vadd.f32 v57, v3  }
0x321: {  	v60 =	vld [tilespmem:s29+$0x17A00];
	s0 =	sand.u32 $0x7F80, s0  }
0x322: {  	v61 =	vld [tilespmem:s29+$0x17A80];
	s0 =	sor.u32 s30, s0;
	v3 =	vadd.f32 v58, v3  }
0x323: {  	v7 =	vld [tilespmem:s0+$0x11380]  }
0x324: {  	v62 =	vld [tilespmem:s29+$0x17B00];
	v3 =	vadd.f32 v59, v3  }
0x325: {  	v8 =	vld [tilespmem:s0+$0xEB80]  }
0x326: {  	v3 =	vadd.f32 v60, v3;
	_ =	sdelay $0x1  }
0x327: {  	v63 =	vmul.f32 v7, v7;
	v3 =	vadd.f32 v61, v3;
	_ =	sdelay $0x1  }
0x328: {  	v4 =	vmul.f32 v8, v63;
	v3 =	vadd.f32 v62, v3;
	_ =	sdelay $0x1  }
0x329: {  	v3 =	vadd.f32 v4, v3;
	_ =	sdelay $0x1  }
0x32a: {  	v2 =	vadd.f32 v3, v2  }
0x32b: {  	s31 =	sadd.s32 $0x10, s26  }
0x32c: {  	[tilespmem:s31+$0x0] =	vst v2  }
0x32d: {  	[spmem:s10] =	stream.linear.scatter [tilespmem:s23], [sflag:$0x1], $0x280, $0x38;
	[tilespmem:$0x1B900] =	vst v63  }
0x32e: {  	_ =	swait.ge [sflag:s13], $0x280  }
0x32f: {  	[sflag:s13] =	ssyncset.done $0x0  }
0x330: {  	[sflag:s13] =	ssyncadd.s32 $0xFFFFFD80  }
0x331: {  	s1 =	simm.s32 @!p0 $0x1;
	s0 =	simm.s32 @!p0 $0x13B80;
	[bflag:$0x0] =	sbarrier.arrive $0xFFFF  }
0x332: {  	[tilespmem:s0], [sflag:$0x1] =	stream.linear.gather @!p0 [spmem:s2], $0x2710, $0x38;
	[tilespmem:$0x1B900] =	vst v63  }
0x333: {  	s25 =	sadd.s32 $0x1, s25;
	_ =	swait.ge @!p0 [sflag:s1], $0x2710  }
0x334: {  	p1 =	sne.s32 s25, s12;
	[sflag:s1] =	ssyncset.done @!p0 $0x0  }
.Ltmp16:
0x335: {  	s26 =	simm.s32 @!p0 $0x0;
	[sflag:s1] =	ssyncadd.s32 @!p0 $0xFFFFD8F0;
	(pc) =	sbr.rel @p1 .LBB2_1-.Ltmp16, $4  }
0x336: {  	[hbm4b:s11+s26] =	stream.linear.scatter @!p0 [tilespmem:s0], [sflag:$0x1], $0x2710, $0x38;
	[tilespmem:$0x1B900] =	vst v63  }
0x337: {  	_ =	swait.ge @!p0 [sflag:s1], $0x2710  }
0x338: {  	[sflag:s1] =	ssyncset.done @!p0 $0x0  }
0x339: {  	[sflag:s1] =	ssyncadd.s32 @!p0 $0xFFFFD8F0  }
0x33a: {  	_ =	sfence.sel $0x180000  }
0x33b: {  	[bflag:$0x0] =	sbarrier.arrive $0xFFFF  }
0x33c: {  	_ =	strace $0x90000047  }
0x33d: {  	[bflag:$0x2] =	sbarrier.arrive $0xFFFF  }
0x33e: {  	s0 =	rddreg [dreg:$0x4]  }
0x33f: {  	s0 =	sadd.s32 @!p0 $0x100000, s0  }
0x340: {  	[sflag:s0] =	ssyncadd.tile.s32 @!p0 $0x1;
	_ =	shalt  }
.Lfunc_end2:
_tile_overlayer_lowered:
.L_overlay_start_2:
0x341: {  	(tag) =	ssettag $0x2  }
0x342: {  	s0 =	rddreg [dreg:$0x0];
	s2 =	stileid.u32  }
0x343: {  	s1 =	rddreg [dreg:$0x1];
	p0 =	sne.s32 s2, $0x0  }
0x344: {  	s3 =	rddreg [dreg:$0x2];
	[bflag:$0x3] =	sbarrier.arrive $0xFFFF;
	s2 =	simm.s32 @!p0 $0x1C01  }
0x345: {  	[timem:s3], [sflag:s2] =	dma.local @!p0 [hbm:s0], s1  }
0x346: {  	s0 =	simm.s32 @!p0 $0x1  }
0x347: {  	_ =	swait.ge @!p0 [sflag:s0], s1  }
0x348: {  	s1 =	ssub.s32 @!p0 $0x0, s1;
	[sflag:s0] =	ssyncset.done @!p0 $0x0  }
0x349: {  	[sflag:s0] =	ssyncadd.s32 @!p0 s1  }
0x34a: {  	[bflag:$0x3] =	sbarrier.arrive $0xFFFF  }
0x34b: {  	_ =	shalt  }

</sc_bundles>
